<compile_context>
chip_gen: v7x
topology: tpu7x:2x2x1
jax: 0.10.2.dev20260603
libtpu: 0.0.44.dev20260713+nightly
codegen_flags: <defaults>
</compile_context>

<pallas_src>
import functools

import jax
import jax.numpy as jnp
from jax import lax
from jax.experimental import pallas as pl
from jax.experimental.pallas import tpu as pltpu
from jax.experimental.pallas import tpu_sc as plsc

N_NODES = 100000
D_FEAT = 128
D_EDGE = 16
E_TOTAL = 3200000

NC = 2
NS = 16
NW = NC * NS
ROWS_PER_TILE = 6256
N_PAD = NS * ROWS_PER_TILE
E_HALF = E_TOTAL // NC
EDGES_PER_TILE = E_TOTAL // NW
EC = 2000
NJ1 = E_HALF // EC
NJ2 = EDGES_PER_TILE // EC

BLK = 2000


def _sc_segment_sum(col, attr_t, zeros_flat):
    mesh = plsc.VectorSubcoreMesh(core_axis_name="c", subcore_axis_name="s")

    @functools.partial(
        pl.kernel,
        mesh=mesh,
        out_type=[
            jax.ShapeDtypeStruct((NW, N_PAD), jnp.float32),
            jax.ShapeDtypeStruct((NW, N_PAD), jnp.float32),
        ],
        scratch_types=[
            pltpu.VMEM((EC,), jnp.int32),
            pltpu.VMEM((EC,), jnp.int32),
            pltpu.VMEM((EC,), jnp.float32),
            pltpu.VMEM((EC,), jnp.float32),
            pltpu.VMEM((N_PAD,), jnp.float32),
            pltpu.SemaphoreType.DMA,
            pltpu.SemaphoreType.DMA,
            pltpu.SemaphoreType.DMA,
            pltpu.SemaphoreType.DMA,
        ],
        compiler_params=pltpu.CompilerParams(needs_layout_passes=False),
    )
    def k(col_h, attrt_h, z_h, sums_h, cnts_h,
          idxb0, idxb1, valb0, valb1, hist_v, si0, si1, sv0, sv1):
        c = lax.axis_index("c")
        s = lax.axis_index("s")
        w = c * NS + s
        idxbufs = (idxb0, idxb1)
        valbufs = (valb0, valb1)
        sems_i = (si0, si1)
        sems_v = (sv0, sv1)

        pltpu.sync_copy(z_h, hist_v)
        ebase = c * E_HALF
        vbase = s * E_TOTAL + ebase

        def start1(j, b):
            pltpu.async_copy(col_h.at[pl.ds(ebase + j * EC, EC)],
                             idxbufs[b], sems_i[b])
            pltpu.async_copy(attrt_h.at[pl.ds(vbase + j * EC, EC)],
                             valbufs[b], sems_v[b])

        def wait1(j, b):
            pltpu.make_async_copy(col_h.at[pl.ds(ebase + j * EC, EC)],
                                  idxbufs[b], sems_i[b]).wait()
            pltpu.make_async_copy(attrt_h.at[pl.ds(vbase + j * EC, EC)],
                                  valbufs[b], sems_v[b]).wait()

        start1(0, 0)

        def body1(j2, carry):
            for b in (0, 1):
                j = j2 * 2 + b

                @pl.when(j + 1 < NJ1)
                def _():
                    start1(j + 1, 1 - b)

                wait1(j, b)

                @plsc.parallel_loop(0, EC // 16, 1, unroll=4)
                def _(kk):
                    o = kk * 16
                    iv = idxbufs[b][pl.ds(o, 16)]
                    vv = valbufs[b][pl.ds(o, 16)]
                    plsc.addupdate_scatter(hist_v, [iv], vv)
            return carry

        lax.fori_loop(0, NJ1 // 2, body1, 0)
        pltpu.sync_copy(hist_v, sums_h.at[w])

        pltpu.sync_copy(z_h, hist_v)
        sbase = w * EDGES_PER_TILE
        ones16 = jnp.full((16,), 1.0, dtype=jnp.float32)

        def start2(j, b):
            pltpu.async_copy(col_h.at[pl.ds(sbase + j * EC, EC)],
                             idxbufs[b], sems_i[b])

        def wait2(j, b):
            pltpu.make_async_copy(col_h.at[pl.ds(sbase + j * EC, EC)],
                                  idxbufs[b], sems_i[b]).wait()

        start2(0, 0)

        def body2(j2, carry):
            for b in (0, 1):
                j = j2 * 2 + b

                @pl.when(j + 1 < NJ2)
                def _():
                    start2(j + 1, 1 - b)

                wait2(j, b)

                @plsc.parallel_loop(0, EC // 16, 1, unroll=4)
                def _(kk):
                    o = kk * 16
                    iv = idxbufs[b][pl.ds(o, 16)]
                    plsc.addupdate_scatter(hist_v, [iv], ones16)
            return carry

        lax.fori_loop(0, NJ2 // 2, body2, 0)
        pltpu.sync_copy(hist_v, cnts_h.at[w])

    return k(col, attr_t, zeros_flat)


def _tc_xw(x, wx_t, b2):
    def body(x_r, wx_r, b_r, o_r):
        o_r[...] = jnp.dot(x_r[...], wx_r[...],
                           preferred_element_type=jnp.float32) + b_r[...]

    grid = N_NODES // BLK
    return pl.pallas_call(
        body,
        grid=(grid,),
        in_specs=[
            pl.BlockSpec((BLK, D_FEAT), lambda i: (i, 0)),
            pl.BlockSpec((D_FEAT, D_FEAT), lambda i: (0, 0)),
            pl.BlockSpec((1, D_FEAT), lambda i: (0, 0)),
        ],
        out_specs=pl.BlockSpec((BLK, D_FEAT), lambda i: (i, 0)),
        out_shape=jax.ShapeDtypeStruct((N_NODES, D_FEAT), jnp.float32),
    )(x, wx_t, b2)


def _tc_combine(xw, s0, s1, cnts, wa_t):
    def body(xw_r, s0_r, s1_r, c_r, wa_r, o_r):
        ones_col = jnp.ones((NW, 1), dtype=jnp.float32)
        cnt = jnp.dot(c_r[...], ones_col, preferred_element_type=jnp.float32)
        inv = 1.0 / jnp.maximum(cnt, 1.0)
        agg = (s0_r[...] + s1_r[...]) * inv
        o_r[...] = xw_r[...] + jnp.dot(agg, wa_r[...],
                                       preferred_element_type=jnp.float32)

    grid = N_NODES // BLK
    return pl.pallas_call(
        body,
        grid=(grid,),
        in_specs=[
            pl.BlockSpec((BLK, D_FEAT), lambda i: (i, 0)),
            pl.BlockSpec((BLK, D_EDGE), lambda i: (i, 0)),
            pl.BlockSpec((BLK, D_EDGE), lambda i: (i, 0)),
            pl.BlockSpec((BLK, NW), lambda i: (i, 0)),
            pl.BlockSpec((D_EDGE, D_FEAT), lambda i: (0, 0)),
        ],
        out_specs=pl.BlockSpec((BLK, D_FEAT), lambda i: (i, 0)),
        out_shape=jax.ShapeDtypeStruct((N_NODES, D_FEAT), jnp.float32),
    )(xw, s0, s1, cnts, wa_t)


@jax.jit
def kernel(x, edge_index, edge_attr, W, b):
    col = edge_index[1]
    attr_t = edge_attr.T.reshape(-1)
    zeros_flat = jnp.zeros((N_PAD,), jnp.float32)
    sums_f, cnts_f = _sc_segment_sum(col, attr_t, zeros_flat)
    s0 = sums_f[:NS, :N_NODES].T
    s1 = sums_f[NS:, :N_NODES].T
    cnts = cnts_f[:, :N_NODES].T
    wt = W.T
    xw = _tc_xw(x, wt[:D_FEAT], b[None, :])
    return _tc_combine(xw, s0, s1, cnts, wt[D_FEAT:])

# --- scband reference (transcript-rebuilt; emitter-appended) ---
"""Pipeline reference for scband-aggregate-update-15307263443166 (READ-ONLY COPY).

The authoritative reference and input builder live on the scoring server;
editing this copy changes nothing except your own understanding.
"""

import jax, jax.numpy as jnp
import numpy as np

N = 100000
E = 3200000
D_FEAT = 128
D_EDGE = 16
D_IN = D_FEAT + D_EDGE
D_OUT = 128


def setup_inputs(seed: int = 0) -> dict:
    key = jax.random.key(seed)
    k1, k2, k3, k4 = jax.random.split(key, 4)
    x = jax.random.normal(k1, (N, D_FEAT), dtype=jnp.float32)
    edge_index = jax.random.randint(k2, (2, E), 0, N, dtype=jnp.int32)
    edge_attr = jax.random.normal(k3, (E, D_EDGE), dtype=jnp.float32)
    # Learned parameters of the final (and only) linear layer of the mlp:
    # Linear(in_features=144, out_features=128)
    W = jax.random.normal(k4, (D_OUT, D_IN), dtype=jnp.float32) * 0.05
    b = jnp.zeros((D_OUT,), dtype=jnp.float32)
    return {"x": x, "edge_index": edge_index, "edge_attr": edge_attr, "W": W, "b": b}


def reference(x, edge_index, edge_attr, W, b):
    # row, col = edge_index ; aggregate edge_attr into destination nodes (col) with 'mean'
    col = edge_index[1]
    n_nodes = x.shape[0]
    sums = jax.ops.segment_sum(edge_attr, col, num_segments=n_nodes)
    counts = jax.ops.segment_sum(
        jnp.ones((edge_attr.shape[0],), dtype=edge_attr.dtype), col, num_segments=n_nodes
    )
    agg = sums / jnp.maximum(counts, 1.0)[:, None]  # scatter-mean, zero where no edges
    out = jnp.concatenate([x, agg], axis=1)
    # mlp with no hidden layers == single Linear layer
    out = out @ W.T + b
    return out

if __name__ == "__main__":
    import jax
    _d = setup_inputs()
    print(jax.jit(kernel)(*tuple(_d.values())))

</pallas_src>

<mosaic_0001>
#map = affine_map<(d0, d1) -> (0)>
#map1 = affine_map<(d0, d1) -> (0, 0)>
module attributes {stable_mosaic.version = 14 : i64} {
  func.func @k(%arg0: i32, %arg1: i32, %arg2: memref<3200000xi32, #tpu.memory_space<hbm>>, %arg3: memref<51200000xf32, #tpu.memory_space<hbm>>, %arg4: memref<100096xf32, #tpu.memory_space<hbm>>, %arg5: memref<32x100096xf32, #tpu.memory_space<hbm>>, %arg6: memref<32x100096xf32, #tpu.memory_space<hbm>>, %arg7: memref<2000xi32, #tpu.memory_space<vmem>>, %arg8: memref<2000xi32, #tpu.memory_space<vmem>>, %arg9: memref<2000xf32, #tpu.memory_space<vmem>>, %arg10: memref<2000xf32, #tpu.memory_space<vmem>>, %arg11: memref<100096xf32, #tpu.memory_space<vmem>>, %arg12: memref<!tpu.dma_semaphore, #tpu.memory_space<semaphore_mem>>, %arg13: memref<!tpu.dma_semaphore, #tpu.memory_space<semaphore_mem>>, %arg14: memref<!tpu.dma_semaphore, #tpu.memory_space<semaphore_mem>>, %arg15: memref<!tpu.dma_semaphore, #tpu.memory_space<semaphore_mem>>) attributes {dimension_semantics = [#tpu.dimension_semantics<core_parallel>, #tpu.dimension_semantics<subcore_parallel>], iteration_bounds = array<i64: 2, 16>, scalar_prefetch = 0 : i64, scratch_operands = 9 : i64, tpu.core_type = #tpu.core_type<sc_vector_subcore>, window_params = [{transform_indices = #map}, {transform_indices = #map}, {transform_indices = #map}, {transform_indices = #map1}, {transform_indices = #map1}]} {
    %mul3A = arith.constant 16 : i32
    %mul3A_0 = arith.muli %arg0, %mul3A : i32
    %add3A = arith.addi %mul3A_0, %arg1 : i32
    "tpu.region"() ({
      %run_scoped3A = tpu.sem_alloc : memref<!tpu.dma_semaphore, #tpu.memory_space<semaphore_mem>>
      tpu.enqueue_dma source(%arg4 : memref<100096xf32, #tpu.memory_space<hbm>>) target(%arg11 : memref<100096xf32, #tpu.memory_space<vmem>>) target_semaphore(%run_scoped3A : memref<!tpu.dma_semaphore, #tpu.memory_space<semaphore_mem>>)
      tpu.wait_dma2 semaphore(%run_scoped3A : memref<!tpu.dma_semaphore, #tpu.memory_space<semaphore_mem>>) src(%arg4 : memref<100096xf32, #tpu.memory_space<hbm>>) dst(%arg11 : memref<100096xf32, #tpu.memory_space<vmem>>)
      tpu.yield
    }) : () -> ()
    %mul3A_1 = arith.constant 1600000 : i32
    %mul3A_2 = arith.muli %arg0, %mul3A_1 : i32
    %mul3A_3 = arith.constant 3200000 : i32
    %mul3A_4 = arith.muli %arg1, %mul3A_3 : i32
    %add3A_5 = arith.addi %mul3A_4, %mul3A_2 : i32
    %add3A_6 = arith.constant 0 : i32
    %add3A_7 = arith.addi %mul3A_2, %add3A_6 : i32
    %dma_start3A = tpu.memref_slice %arg2[%add3A_7] : memref<3200000xi32, #tpu.memory_space<hbm>> -> memref<2000xi32, #tpu.memory_space<hbm>>
    %dma_start3A_8 = tpu.memref_slice %arg2[%add3A_7] : memref<3200000xi32, #tpu.memory_space<hbm>> -> memref<2000xi32, #tpu.memory_space<hbm>>
    tpu.enqueue_dma source(%dma_start3A_8 : memref<2000xi32, #tpu.memory_space<hbm>>) target(%arg7 : memref<2000xi32, #tpu.memory_space<vmem>>) target_semaphore(%arg12 : memref<!tpu.dma_semaphore, #tpu.memory_space<semaphore_mem>>)
    %add3A_9 = arith.constant 0 : i32
    %add3A_10 = arith.addi %add3A_5, %add3A_9 : i32
    %dma_start3A_11 = tpu.memref_slice %arg3[%add3A_10] : memref<51200000xf32, #tpu.memory_space<hbm>> -> memref<2000xf32, #tpu.memory_space<hbm>>
    %dma_start3A_12 = tpu.memref_slice %arg3[%add3A_10] : memref<51200000xf32, #tpu.memory_space<hbm>> -> memref<2000xf32, #tpu.memory_space<hbm>>
    tpu.enqueue_dma source(%dma_start3A_12 : memref<2000xf32, #tpu.memory_space<hbm>>) target(%arg9 : memref<2000xf32, #tpu.memory_space<vmem>>) target_semaphore(%arg14 : memref<!tpu.dma_semaphore, #tpu.memory_space<semaphore_mem>>)
    %scan3A = arith.constant 0 : i32
    %scan3A_13 = arith.constant 0 : i32
    %scan3A_14 = arith.constant 400 : i32
    %scan3A_15 = arith.addi %scan3A_13, %scan3A_14 : i32
    %scan3A_16 = arith.constant 1 : i32
    scf.for %scan3A_31 = %scan3A_13 to %scan3A_15 step %scan3A_16  : i32 {
      %mul3A_32 = arith.constant 2 : i32
      %mul3A_33 = arith.muli %scan3A_31, %mul3A_32 : i32
      %add3A_34 = arith.constant 0 : i32
      %add3A_35 = arith.addi %mul3A_33, %add3A_34 : i32
      %add3A_36 = arith.constant 1 : i32
      %add3A_37 = arith.addi %add3A_35, %add3A_36 : i32
      %lt3A = arith.constant 800 : i32
      %lt3A_38 = arith.cmpi slt, %add3A_37, %lt3A : i32
      %convert_element_type3A = arith.extui %lt3A_38 : i1 to i32
      %cond3A = arith.constant 0 : i32
      %cond3A_39 = arith.cmpi ne, %convert_element_type3A, %cond3A : i32
      scf.if %cond3A_39 {
        %add3A_75 = arith.constant 1 : i32
        %add3A_76 = arith.addi %add3A_35, %add3A_75 : i32
        %mul3A_77 = arith.constant 2000 : i32
        %mul3A_78 = arith.muli %add3A_76, %mul3A_77 : i32
        %add3A_79 = arith.addi %mul3A_2, %mul3A_78 : i32
        %dma_start3A_80 = tpu.memref_slice %arg2[%add3A_79] : memref<3200000xi32, #tpu.memory_space<hbm>> -> memref<2000xi32, #tpu.memory_space<hbm>>
        %dma_start3A_81 = tpu.memref_slice %arg2[%add3A_79] : memref<3200000xi32, #tpu.memory_space<hbm>> -> memref<2000xi32, #tpu.memory_space<hbm>>
        tpu.enqueue_dma source(%dma_start3A_81 : memref<2000xi32, #tpu.memory_space<hbm>>) target(%arg8 : memref<2000xi32, #tpu.memory_space<vmem>>) target_semaphore(%arg13 : memref<!tpu.dma_semaphore, #tpu.memory_space<semaphore_mem>>)
        %mul3A_82 = arith.constant 2000 : i32
        %mul3A_83 = arith.muli %add3A_76, %mul3A_82 : i32
        %add3A_84 = arith.addi %add3A_5, %mul3A_83 : i32
        %dma_start3A_85 = tpu.memref_slice %arg3[%add3A_84] : memref<51200000xf32, #tpu.memory_space<hbm>> -> memref<2000xf32, #tpu.memory_space<hbm>>
        %dma_start3A_86 = tpu.memref_slice %arg3[%add3A_84] : memref<51200000xf32, #tpu.memory_space<hbm>> -> memref<2000xf32, #tpu.memory_space<hbm>>
        tpu.enqueue_dma source(%dma_start3A_86 : memref<2000xf32, #tpu.memory_space<hbm>>) target(%arg10 : memref<2000xf32, #tpu.memory_space<vmem>>) target_semaphore(%arg15 : memref<!tpu.dma_semaphore, #tpu.memory_space<semaphore_mem>>)
      } else {
      }
      %mul3A_40 = arith.constant 2000 : i32
      %mul3A_41 = arith.muli %add3A_35, %mul3A_40 : i32
      %add3A_42 = arith.addi %mul3A_2, %mul3A_41 : i32
      %dma_wait3A = tpu.memref_slice %arg2[%add3A_42] : memref<3200000xi32, #tpu.memory_space<hbm>> -> memref<2000xi32, #tpu.memory_space<hbm>>
      %dma_wait3A_43 = tpu.memref_slice %arg2[%add3A_42] : memref<3200000xi32, #tpu.memory_space<hbm>> -> memref<2000xi32, #tpu.memory_space<hbm>>
      tpu.wait_dma2 semaphore(%arg12 : memref<!tpu.dma_semaphore, #tpu.memory_space<semaphore_mem>>) src(%dma_wait3A_43 : memref<2000xi32, #tpu.memory_space<hbm>>) dst(%arg7 : memref<2000xi32, #tpu.memory_space<vmem>>)
      %mul3A_44 = arith.constant 2000 : i32
      %mul3A_45 = arith.muli %add3A_35, %mul3A_44 : i32
      %add3A_46 = arith.addi %add3A_5, %mul3A_45 : i32
      %dma_wait3A_47 = tpu.memref_slice %arg3[%add3A_46] : memref<51200000xf32, #tpu.memory_space<hbm>> -> memref<2000xf32, #tpu.memory_space<hbm>>
      %dma_wait3A_48 = tpu.memref_slice %arg3[%add3A_46] : memref<51200000xf32, #tpu.memory_space<hbm>> -> memref<2000xf32, #tpu.memory_space<hbm>>
      tpu.wait_dma2 semaphore(%arg14 : memref<!tpu.dma_semaphore, #tpu.memory_space<semaphore_mem>>) src(%dma_wait3A_48 : memref<2000xf32, #tpu.memory_space<hbm>>) dst(%arg9 : memref<2000xf32, #tpu.memory_space<vmem>>)
      %parallel_loop3A = arith.constant 0 : i32
      %parallel_loop3A_49 = arith.constant 125 : i32
      %parallel_loop3A_50 = arith.constant 1 : i32
      scf.for %parallel_loop3A_75 = %parallel_loop3A to %parallel_loop3A_49 step %parallel_loop3A_50  : i32 {
        %parallel_loop3A_76 = arith.constant 16 : i32
        %parallel_loop3A_77 = arith.muli %parallel_loop3A_75, %parallel_loop3A_76 : i32
        %parallel_loop3A_78 = arith.index_cast %parallel_loop3A_77 : i32 to index
        %parallel_loop3A_79 = tpu.vector_load %arg7[%parallel_loop3A_78] {strides = array<i32>} : memref<2000xi32, #tpu.memory_space<vmem>>, vector<16xi32>,
        %parallel_loop3A_80 = arith.index_cast %parallel_loop3A_77 : i32 to index
        %parallel_loop3A_81 = tpu.vector_load %arg9[%parallel_loop3A_80] {strides = array<i32>} : memref<2000xf32, #tpu.memory_space<vmem>>, vector<16xf32>,
        tpu.vector_store_idx %arg11[%parallel_loop3A_79], %parallel_loop3A_81 {add = true} : memref<100096xf32, #tpu.memory_space<vmem>>[vector<16xi32>], vector<16xf32>,
      } {sc.loop_unroll_factor = 4 : i64, sc.parallel_access}
      %mul3A_51 = arith.constant 2 : i32
      %mul3A_52 = arith.muli %scan3A_31, %mul3A_51 : i32
      %add3A_53 = arith.constant 1 : i32
      %add3A_54 = arith.addi %mul3A_52, %add3A_53 : i32
      %add3A_55 = arith.constant 1 : i32
      %add3A_56 = arith.addi %add3A_54, %add3A_55 : i32
      %lt3A_57 = arith.constant 800 : i32
      %lt3A_58 = arith.cmpi slt, %add3A_56, %lt3A_57 : i32
      %convert_element_type3A_59 = arith.extui %lt3A_58 : i1 to i32
      %cond3A_60 = arith.constant 0 : i32
      %cond3A_61 = arith.cmpi ne, %convert_element_type3A_59, %cond3A_60 : i32
      scf.if %cond3A_61 {
        %add3A_75 = arith.constant 1 : i32
        %add3A_76 = arith.addi %add3A_54, %add3A_75 : i32
        %mul3A_77 = arith.constant 2000 : i32
        %mul3A_78 = arith.muli %add3A_76, %mul3A_77 : i32
        %add3A_79 = arith.addi %mul3A_2, %mul3A_78 : i32
        %dma_start3A_80 = tpu.memref_slice %arg2[%add3A_79] : memref<3200000xi32, #tpu.memory_space<hbm>> -> memref<2000xi32, #tpu.memory_space<hbm>>
        %dma_start3A_81 = tpu.memref_slice %arg2[%add3A_79] : memref<3200000xi32, #tpu.memory_space<hbm>> -> memref<2000xi32, #tpu.memory_space<hbm>>
        tpu.enqueue_dma source(%dma_start3A_81 : memref<2000xi32, #tpu.memory_space<hbm>>) target(%arg7 : memref<2000xi32, #tpu.memory_space<vmem>>) target_semaphore(%arg12 : memref<!tpu.dma_semaphore, #tpu.memory_space<semaphore_mem>>)
        %mul3A_82 = arith.constant 2000 : i32
        %mul3A_83 = arith.muli %add3A_76, %mul3A_82 : i32
        %add3A_84 = arith.addi %add3A_5, %mul3A_83 : i32
        %dma_start3A_85 = tpu.memref_slice %arg3[%add3A_84] : memref<51200000xf32, #tpu.memory_space<hbm>> -> memref<2000xf32, #tpu.memory_space<hbm>>
        %dma_start3A_86 = tpu.memref_slice %arg3[%add3A_84] : memref<51200000xf32, #tpu.memory_space<hbm>> -> memref<2000xf32, #tpu.memory_space<hbm>>
        tpu.enqueue_dma source(%dma_start3A_86 : memref<2000xf32, #tpu.memory_space<hbm>>) target(%arg9 : memref<2000xf32, #tpu.memory_space<vmem>>) target_semaphore(%arg14 : memref<!tpu.dma_semaphore, #tpu.memory_space<semaphore_mem>>)
      } else {
      }
      %mul3A_62 = arith.constant 2000 : i32
      %mul3A_63 = arith.muli %add3A_54, %mul3A_62 : i32
      %add3A_64 = arith.addi %mul3A_2, %mul3A_63 : i32
      %dma_wait3A_65 = tpu.memref_slice %arg2[%add3A_64] : memref<3200000xi32, #tpu.memory_space<hbm>> -> memref<2000xi32, #tpu.memory_space<hbm>>
      %dma_wait3A_66 = tpu.memref_slice %arg2[%add3A_64] : memref<3200000xi32, #tpu.memory_space<hbm>> -> memref<2000xi32, #tpu.memory_space<hbm>>
      tpu.wait_dma2 semaphore(%arg13 : memref<!tpu.dma_semaphore, #tpu.memory_space<semaphore_mem>>) src(%dma_wait3A_66 : memref<2000xi32, #tpu.memory_space<hbm>>) dst(%arg8 : memref<2000xi32, #tpu.memory_space<vmem>>)
      %mul3A_67 = arith.constant 2000 : i32
      %mul3A_68 = arith.muli %add3A_54, %mul3A_67 : i32
      %add3A_69 = arith.addi %add3A_5, %mul3A_68 : i32
      %dma_wait3A_70 = tpu.memref_slice %arg3[%add3A_69] : memref<51200000xf32, #tpu.memory_space<hbm>> -> memref<2000xf32, #tpu.memory_space<hbm>>
      %dma_wait3A_71 = tpu.memref_slice %arg3[%add3A_69] : memref<51200000xf32, #tpu.memory_space<hbm>> -> memref<2000xf32, #tpu.memory_space<hbm>>
      tpu.wait_dma2 semaphore(%arg15 : memref<!tpu.dma_semaphore, #tpu.memory_space<semaphore_mem>>) src(%dma_wait3A_71 : memref<2000xf32, #tpu.memory_space<hbm>>) dst(%arg10 : memref<2000xf32, #tpu.memory_space<vmem>>)
      %parallel_loop3A_72 = arith.constant 0 : i32
      %parallel_loop3A_73 = arith.constant 125 : i32
      %parallel_loop3A_74 = arith.constant 1 : i32
      scf.for %parallel_loop3A_75 = %parallel_loop3A_72 to %parallel_loop3A_73 step %parallel_loop3A_74  : i32 {
        %parallel_loop3A_76 = arith.constant 16 : i32
        %parallel_loop3A_77 = arith.muli %parallel_loop3A_75, %parallel_loop3A_76 : i32
        %parallel_loop3A_78 = arith.index_cast %parallel_loop3A_77 : i32 to index
        %parallel_loop3A_79 = tpu.vector_load %arg8[%parallel_loop3A_78] {strides = array<i32>} : memref<2000xi32, #tpu.memory_space<vmem>>, vector<16xi32>,
        %parallel_loop3A_80 = arith.index_cast %parallel_loop3A_77 : i32 to index
        %parallel_loop3A_81 = tpu.vector_load %arg10[%parallel_loop3A_80] {strides = array<i32>} : memref<2000xf32, #tpu.memory_space<vmem>>, vector<16xf32>,
        tpu.vector_store_idx %arg11[%parallel_loop3A_79], %parallel_loop3A_81 {add = true} : memref<100096xf32, #tpu.memory_space<vmem>>[vector<16xi32>], vector<16xf32>,
      } {sc.loop_unroll_factor = 4 : i64, sc.parallel_access}
    }
    %scan3A_17 = arith.constant 400 : i32
    "tpu.region"() ({
      %run_scoped3A = tpu.sem_alloc : memref<!tpu.dma_semaphore, #tpu.memory_space<semaphore_mem>>
      %dma_start3A_31 = arith.constant 0 : i32
      %dma_start3A_32 = tpu.memref_slice %arg5[%add3A, %dma_start3A_31] : memref<32x100096xf32, #tpu.memory_space<hbm>> -> memref<1x100096xf32, #tpu.memory_space<hbm>>
      %dma_start3A_33 = tpu.memref_squeeze %dma_start3A_32 : memref<1x100096xf32, #tpu.memory_space<hbm>> -> memref<100096xf32, #tpu.memory_space<hbm>>
      %dma_start3A_34 = arith.constant 0 : i32
      %dma_start3A_35 = tpu.memref_slice %arg5[%add3A, %dma_start3A_34] : memref<32x100096xf32, #tpu.memory_space<hbm>> -> memref<1x100096xf32, #tpu.memory_space<hbm>>
      %dma_start3A_36 = tpu.memref_squeeze %dma_start3A_35 : memref<1x100096xf32, #tpu.memory_space<hbm>> -> memref<100096xf32, #tpu.memory_space<hbm>>
      tpu.enqueue_dma source(%arg11 : memref<100096xf32, #tpu.memory_space<vmem>>) target(%dma_start3A_36 : memref<100096xf32, #tpu.memory_space<hbm>>) target_semaphore(%run_scoped3A : memref<!tpu.dma_semaphore, #tpu.memory_space<semaphore_mem>>)
      %dma_wait3A = arith.constant 0 : i32
      %dma_wait3A_37 = tpu.memref_slice %arg5[%add3A, %dma_wait3A] : memref<32x100096xf32, #tpu.memory_space<hbm>> -> memref<1x100096xf32, #tpu.memory_space<hbm>>
      %dma_wait3A_38 = tpu.memref_squeeze %dma_wait3A_37 : memref<1x100096xf32, #tpu.memory_space<hbm>> -> memref<100096xf32, #tpu.memory_space<hbm>>
      %dma_wait3A_39 = arith.constant 0 : i32
      %dma_wait3A_40 = tpu.memref_slice %arg5[%add3A, %dma_wait3A_39] : memref<32x100096xf32, #tpu.memory_space<hbm>> -> memref<1x100096xf32, #tpu.memory_space<hbm>>
      %dma_wait3A_41 = tpu.memref_squeeze %dma_wait3A_40 : memref<1x100096xf32, #tpu.memory_space<hbm>> -> memref<100096xf32, #tpu.memory_space<hbm>>
      tpu.wait_dma2 semaphore(%run_scoped3A : memref<!tpu.dma_semaphore, #tpu.memory_space<semaphore_mem>>) src(%arg11 : memref<100096xf32, #tpu.memory_space<vmem>>) dst(%dma_wait3A_41 : memref<100096xf32, #tpu.memory_space<hbm>>)
      tpu.yield
    }) : () -> ()
    "tpu.region"() ({
      %run_scoped3A = tpu.sem_alloc : memref<!tpu.dma_semaphore, #tpu.memory_space<semaphore_mem>>
      tpu.enqueue_dma source(%arg4 : memref<100096xf32, #tpu.memory_space<hbm>>) target(%arg11 : memref<100096xf32, #tpu.memory_space<vmem>>) target_semaphore(%run_scoped3A : memref<!tpu.dma_semaphore, #tpu.memory_space<semaphore_mem>>)
      tpu.wait_dma2 semaphore(%run_scoped3A : memref<!tpu.dma_semaphore, #tpu.memory_space<semaphore_mem>>) src(%arg4 : memref<100096xf32, #tpu.memory_space<hbm>>) dst(%arg11 : memref<100096xf32, #tpu.memory_space<vmem>>)
      tpu.yield
    }) : () -> ()
    %mul3A_18 = arith.constant 100000 : i32
    %mul3A_19 = arith.muli %add3A, %mul3A_18 : i32
    %broadcast_in_dim3A = arith.constant 1.000000e+00 : f32
    %broadcast_in_dim3A_20 = vector.broadcast %broadcast_in_dim3A : f32 to vector<16xf32>
    %add3A_21 = arith.constant 0 : i32
    %add3A_22 = arith.addi %mul3A_19, %add3A_21 : i32
    %dma_start3A_23 = tpu.memref_slice %arg2[%add3A_22] : memref<3200000xi32, #tpu.memory_space<hbm>> -> memref<2000xi32, #tpu.memory_space<hbm>>
    %dma_start3A_24 = tpu.memref_slice %arg2[%add3A_22] : memref<3200000xi32, #tpu.memory_space<hbm>> -> memref<2000xi32, #tpu.memory_space<hbm>>
    tpu.enqueue_dma source(%dma_start3A_24 : memref<2000xi32, #tpu.memory_space<hbm>>) target(%arg7 : memref<2000xi32, #tpu.memory_space<vmem>>) target_semaphore(%arg12 : memref<!tpu.dma_semaphore, #tpu.memory_space<semaphore_mem>>)
    %scan3A_25 = arith.constant 0 : i32
    %scan3A_26 = arith.constant 0 : i32
    %scan3A_27 = arith.constant 25 : i32
    %scan3A_28 = arith.addi %scan3A_26, %scan3A_27 : i32
    %scan3A_29 = arith.constant 1 : i32
    scf.for %scan3A_31 = %scan3A_26 to %scan3A_28 step %scan3A_29  : i32 {
      %mul3A_32 = arith.constant 2 : i32
      %mul3A_33 = arith.muli %scan3A_31, %mul3A_32 : i32
      %add3A_34 = arith.constant 0 : i32
      %add3A_35 = arith.addi %mul3A_33, %add3A_34 : i32
      %add3A_36 = arith.constant 1 : i32
      %add3A_37 = arith.addi %add3A_35, %add3A_36 : i32
      %lt3A = arith.constant 50 : i32
      %lt3A_38 = arith.cmpi slt, %add3A_37, %lt3A : i32
      %convert_element_type3A = arith.extui %lt3A_38 : i1 to i32
      %cond3A = arith.constant 0 : i32
      %cond3A_39 = arith.cmpi ne, %convert_element_type3A, %cond3A : i32
      scf.if %cond3A_39 {
        %add3A_65 = arith.constant 1 : i32
        %add3A_66 = arith.addi %add3A_35, %add3A_65 : i32
        %mul3A_67 = arith.constant 2000 : i32
        %mul3A_68 = arith.muli %add3A_66, %mul3A_67 : i32
        %add3A_69 = arith.addi %mul3A_19, %mul3A_68 : i32
        %dma_start3A_70 = tpu.memref_slice %arg2[%add3A_69] : memref<3200000xi32, #tpu.memory_space<hbm>> -> memref<2000xi32, #tpu.memory_space<hbm>>
        %dma_start3A_71 = tpu.memref_slice %arg2[%add3A_69] : memref<3200000xi32, #tpu.memory_space<hbm>> -> memref<2000xi32, #tpu.memory_space<hbm>>
        tpu.enqueue_dma source(%dma_start3A_71 : memref<2000xi32, #tpu.memory_space<hbm>>) target(%arg8 : memref<2000xi32, #tpu.memory_space<vmem>>) target_semaphore(%arg13 : memref<!tpu.dma_semaphore, #tpu.memory_space<semaphore_mem>>)
      } else {
      }
      %mul3A_40 = arith.constant 2000 : i32
      %mul3A_41 = arith.muli %add3A_35, %mul3A_40 : i32
      %add3A_42 = arith.addi %mul3A_19, %mul3A_41 : i32
      %dma_wait3A = tpu.memref_slice %arg2[%add3A_42] : memref<3200000xi32, #tpu.memory_space<hbm>> -> memref<2000xi32, #tpu.memory_space<hbm>>
      %dma_wait3A_43 = tpu.memref_slice %arg2[%add3A_42] : memref<3200000xi32, #tpu.memory_space<hbm>> -> memref<2000xi32, #tpu.memory_space<hbm>>
      tpu.wait_dma2 semaphore(%arg12 : memref<!tpu.dma_semaphore, #tpu.memory_space<semaphore_mem>>) src(%dma_wait3A_43 : memref<2000xi32, #tpu.memory_space<hbm>>) dst(%arg7 : memref<2000xi32, #tpu.memory_space<vmem>>)
      %parallel_loop3A = arith.constant 0 : i32
      %parallel_loop3A_44 = arith.constant 125 : i32
      %parallel_loop3A_45 = arith.constant 1 : i32
      scf.for %parallel_loop3A_65 = %parallel_loop3A to %parallel_loop3A_44 step %parallel_loop3A_45  : i32 {
        %parallel_loop3A_66 = arith.constant 16 : i32
        %parallel_loop3A_67 = arith.muli %parallel_loop3A_65, %parallel_loop3A_66 : i32
        %parallel_loop3A_68 = arith.index_cast %parallel_loop3A_67 : i32 to index
        %parallel_loop3A_69 = tpu.vector_load %arg7[%parallel_loop3A_68] {strides = array<i32>} : memref<2000xi32, #tpu.memory_space<vmem>>, vector<16xi32>,
        tpu.vector_store_idx %arg11[%parallel_loop3A_69], %broadcast_in_dim3A_20 {add = true} : memref<100096xf32, #tpu.memory_space<vmem>>[vector<16xi32>], vector<16xf32>,
      } {sc.loop_unroll_factor = 4 : i64, sc.parallel_access}
      %mul3A_46 = arith.constant 2 : i32
      %mul3A_47 = arith.muli %scan3A_31, %mul3A_46 : i32
      %add3A_48 = arith.constant 1 : i32
      %add3A_49 = arith.addi %mul3A_47, %add3A_48 : i32
      %add3A_50 = arith.constant 1 : i32
      %add3A_51 = arith.addi %add3A_49, %add3A_50 : i32
      %lt3A_52 = arith.constant 50 : i32
      %lt3A_53 = arith.cmpi slt, %add3A_51, %lt3A_52 : i32
      %convert_element_type3A_54 = arith.extui %lt3A_53 : i1 to i32
      %cond3A_55 = arith.constant 0 : i32
      %cond3A_56 = arith.cmpi ne, %convert_element_type3A_54, %cond3A_55 : i32
      scf.if %cond3A_56 {
        %add3A_65 = arith.constant 1 : i32
        %add3A_66 = arith.addi %add3A_49, %add3A_65 : i32
        %mul3A_67 = arith.constant 2000 : i32
        %mul3A_68 = arith.muli %add3A_66, %mul3A_67 : i32
        %add3A_69 = arith.addi %mul3A_19, %mul3A_68 : i32
        %dma_start3A_70 = tpu.memref_slice %arg2[%add3A_69] : memref<3200000xi32, #tpu.memory_space<hbm>> -> memref<2000xi32, #tpu.memory_space<hbm>>
        %dma_start3A_71 = tpu.memref_slice %arg2[%add3A_69] : memref<3200000xi32, #tpu.memory_space<hbm>> -> memref<2000xi32, #tpu.memory_space<hbm>>
        tpu.enqueue_dma source(%dma_start3A_71 : memref<2000xi32, #tpu.memory_space<hbm>>) target(%arg7 : memref<2000xi32, #tpu.memory_space<vmem>>) target_semaphore(%arg12 : memref<!tpu.dma_semaphore, #tpu.memory_space<semaphore_mem>>)
      } else {
      }
      %mul3A_57 = arith.constant 2000 : i32
      %mul3A_58 = arith.muli %add3A_49, %mul3A_57 : i32
      %add3A_59 = arith.addi %mul3A_19, %mul3A_58 : i32
      %dma_wait3A_60 = tpu.memref_slice %arg2[%add3A_59] : memref<3200000xi32, #tpu.memory_space<hbm>> -> memref<2000xi32, #tpu.memory_space<hbm>>
      %dma_wait3A_61 = tpu.memref_slice %arg2[%add3A_59] : memref<3200000xi32, #tpu.memory_space<hbm>> -> memref<2000xi32, #tpu.memory_space<hbm>>
      tpu.wait_dma2 semaphore(%arg13 : memref<!tpu.dma_semaphore, #tpu.memory_space<semaphore_mem>>) src(%dma_wait3A_61 : memref<2000xi32, #tpu.memory_space<hbm>>) dst(%arg8 : memref<2000xi32, #tpu.memory_space<vmem>>)
      %parallel_loop3A_62 = arith.constant 0 : i32
      %parallel_loop3A_63 = arith.constant 125 : i32
      %parallel_loop3A_64 = arith.constant 1 : i32
      scf.for %parallel_loop3A_65 = %parallel_loop3A_62 to %parallel_loop3A_63 step %parallel_loop3A_64  : i32 {
        %parallel_loop3A_66 = arith.constant 16 : i32
        %parallel_loop3A_67 = arith.muli %parallel_loop3A_65, %parallel_loop3A_66 : i32
        %parallel_loop3A_68 = arith.index_cast %parallel_loop3A_67 : i32 to index
        %parallel_loop3A_69 = tpu.vector_load %arg8[%parallel_loop3A_68] {strides = array<i32>} : memref<2000xi32, #tpu.memory_space<vmem>>, vector<16xi32>,
        tpu.vector_store_idx %arg11[%parallel_loop3A_69], %broadcast_in_dim3A_20 {add = true} : memref<100096xf32, #tpu.memory_space<vmem>>[vector<16xi32>], vector<16xf32>,
      } {sc.loop_unroll_factor = 4 : i64, sc.parallel_access}
    }
    %scan3A_30 = arith.constant 25 : i32
    "tpu.region"() ({
      %run_scoped3A = tpu.sem_alloc : memref<!tpu.dma_semaphore, #tpu.memory_space<semaphore_mem>>
      %dma_start3A_31 = arith.constant 0 : i32
      %dma_start3A_32 = tpu.memref_slice %arg6[%add3A, %dma_start3A_31] : memref<32x100096xf32, #tpu.memory_space<hbm>> -> memref<1x100096xf32, #tpu.memory_space<hbm>>
      %dma_start3A_33 = tpu.memref_squeeze %dma_start3A_32 : memref<1x100096xf32, #tpu.memory_space<hbm>> -> memref<100096xf32, #tpu.memory_space<hbm>>
      %dma_start3A_34 = arith.constant 0 : i32
      %dma_start3A_35 = tpu.memref_slice %arg6[%add3A, %dma_start3A_34] : memref<32x100096xf32, #tpu.memory_space<hbm>> -> memref<1x100096xf32, #tpu.memory_space<hbm>>
      %dma_start3A_36 = tpu.memref_squeeze %dma_start3A_35 : memref<1x100096xf32, #tpu.memory_space<hbm>> -> memref<100096xf32, #tpu.memory_space<hbm>>
      tpu.enqueue_dma source(%arg11 : memref<100096xf32, #tpu.memory_space<vmem>>) target(%dma_start3A_36 : memref<100096xf32, #tpu.memory_space<hbm>>) target_semaphore(%run_scoped3A : memref<!tpu.dma_semaphore, #tpu.memory_space<semaphore_mem>>)
      %dma_wait3A = arith.constant 0 : i32
      %dma_wait3A_37 = tpu.memref_slice %arg6[%add3A, %dma_wait3A] : memref<32x100096xf32, #tpu.memory_space<hbm>> -> memref<1x100096xf32, #tpu.memory_space<hbm>>
      %dma_wait3A_38 = tpu.memref_squeeze %dma_wait3A_37 : memref<1x100096xf32, #tpu.memory_space<hbm>> -> memref<100096xf32, #tpu.memory_space<hbm>>
      %dma_wait3A_39 = arith.constant 0 : i32
      %dma_wait3A_40 = tpu.memref_slice %arg6[%add3A, %dma_wait3A_39] : memref<32x100096xf32, #tpu.memory_space<hbm>> -> memref<1x100096xf32, #tpu.memory_space<hbm>>
      %dma_wait3A_41 = tpu.memref_squeeze %dma_wait3A_40 : memref<1x100096xf32, #tpu.memory_space<hbm>> -> memref<100096xf32, #tpu.memory_space<hbm>>
      tpu.wait_dma2 semaphore(%run_scoped3A : memref<!tpu.dma_semaphore, #tpu.memory_space<semaphore_mem>>) src(%arg11 : memref<100096xf32, #tpu.memory_space<vmem>>) dst(%dma_wait3A_41 : memref<100096xf32, #tpu.memory_space<hbm>>)
      tpu.yield
    }) : () -> ()
    return
  }
}

module attributes {stable_mosaic.version = 14 : i64} {
  func.func @body(%arg0: i32, %arg1: memref<2000x128xf32, #tpu.memory_space<vmem>>, %arg2: memref<128x128xf32, #tpu.memory_space<vmem>>, %arg3: memref<1x128xf32, #tpu.memory_space<vmem>>, %arg4: memref<2000x128xf32, #tpu.memory_space<vmem>>) attributes {dimension_semantics = [#tpu.dimension_semantics<arbitrary>], iteration_bounds = array<i64: 50>, scalar_prefetch = 0 : i64, scratch_operands = 0 : i64, tpu.core_type = #tpu.core_type<tc>, window_params = [{transform_indices = @transform_0, window_bounds = array<i64: 2000, 128>}, {pipeline_mode = #tpu.pipeline_mode<synchronous>, transform_indices = @transform_1, window_bounds = array<i64: 128, 128>}, {pipeline_mode = #tpu.pipeline_mode<synchronous>, transform_indices = @transform_2, window_bounds = array<i64: 1, 128>}, {transform_indices = @transform_3, window_bounds = array<i64: 2000, 128>}]} {
    %get3A = arith.constant 0 : index
    %get3A_0 = arith.constant 0 : index
    %get3A_1 = vector.load %arg1[%get3A, %get3A_0] : memref<2000x128xf32, #tpu.memory_space<vmem>>, vector<2000x128xf32>
    %get3A_2 = arith.constant 0 : index
    %get3A_3 = arith.constant 0 : index
    %get3A_4 = vector.load %arg2[%get3A_2, %get3A_3] : memref<128x128xf32, #tpu.memory_space<vmem>>, vector<128x128xf32>
    %dot_general3A = arith.constant dense<0.000000e+00> : vector<2000x128xf32>
    %dot_general3A_5 = tpu.matmul %get3A_1, %get3A_4, %dot_general3A {dimension_numbers = #tpu.dot_dimension_numbers<[1], [0], [0], [1], [0, 0, 1, 1], [], []>, transpose_lhs_hint = false} : vector<2000x128xf32>, vector<128x128xf32>, vector<2000x128xf32> -> vector<2000x128xf32>
    %get3A_6 = arith.constant 0 : index
    %get3A_7 = arith.constant 0 : index
    %get3A_8 = vector.load %arg3[%get3A_6, %get3A_7] : memref<1x128xf32, #tpu.memory_space<vmem>>, vector<1x128xf32>
    %add3A = vector.broadcast %get3A_8 : vector<1x128xf32> to vector<2000x128xf32>
    %add3A_9 = arith.addf %dot_general3A_5, %add3A : vector<2000x128xf32>
    %swap3A = arith.constant 0 : index
    %swap3A_10 = arith.constant 0 : index
    %swap3A_11 = vector.load %arg4[%swap3A, %swap3A_10] : memref<2000x128xf32, #tpu.memory_space<vmem>>, vector<2000x128xf32>
    tpu.vector_store %arg4[%swap3A, %swap3A_10], %add3A_9 {strides = array<i32>} : memref<2000x128xf32, #tpu.memory_space<vmem>>, vector<2000x128xf32>,
    return
  }
  func.func @transform_0(%arg0: i32) -> (i32, i32) {
    %c0_i32 = arith.constant 0 : i32
    %c0_i32_0 = arith.constant 0 : i32
    return %arg0, %c0_i32 : i32, i32
  }
  func.func @transform_1(%arg0: i32) -> (i32, i32) {
    %c0_i32 = arith.constant 0 : i32
    %c0_i32_0 = arith.constant 0 : i32
    %c0_i32_1 = arith.constant 0 : i32
    return %c0_i32, %c0_i32_0 : i32, i32
  }
  func.func @transform_2(%arg0: i32) -> (i32, i32) {
    %c0_i32 = arith.constant 0 : i32
    %c0_i32_0 = arith.constant 0 : i32
    %c0_i32_1 = arith.constant 0 : i32
    return %c0_i32, %c0_i32_0 : i32, i32
  }
  func.func @transform_3(%arg0: i32) -> (i32, i32) {
    %c0_i32 = arith.constant 0 : i32
    %c0_i32_0 = arith.constant 0 : i32
    return %arg0, %c0_i32 : i32, i32
  }
}

module attributes {stable_mosaic.version = 14 : i64} {
  func.func @body(%arg0: i32, %arg1: memref<2000x128xf32, #tpu.memory_space<vmem>>, %arg2: memref<2000x16xf32, #tpu.memory_space<vmem>>, %arg3: memref<2000x16xf32, #tpu.memory_space<vmem>>, %arg4: memref<2000x32xf32, #tpu.memory_space<vmem>>, %arg5: memref<16x128xf32, #tpu.memory_space<vmem>>, %arg6: memref<2000x128xf32, #tpu.memory_space<vmem>>) attributes {dimension_semantics = [#tpu.dimension_semantics<arbitrary>], iteration_bounds = array<i64: 50>, scalar_prefetch = 0 : i64, scratch_operands = 0 : i64, tpu.core_type = #tpu.core_type<tc>, window_params = [{transform_indices = @transform_0, window_bounds = array<i64: 2000, 128>}, {transform_indices = @transform_1, window_bounds = array<i64: 2000, 16>}, {transform_indices = @transform_2, window_bounds = array<i64: 2000, 16>}, {transform_indices = @transform_3, window_bounds = array<i64: 2000, 32>}, {pipeline_mode = #tpu.pipeline_mode<synchronous>, transform_indices = @transform_4, window_bounds = array<i64: 16, 128>}, {transform_indices = @transform_5, window_bounds = array<i64: 2000, 128>}]} {
    %broadcast_in_dim3A = arith.constant 1.000000e+00 : f32
    %broadcast_in_dim3A_0 = vector.broadcast %broadcast_in_dim3A : f32 to vector<32x1xf32>
    %get3A = arith.constant 0 : index
    %get3A_1 = arith.constant 0 : index
    %get3A_2 = vector.load %arg4[%get3A, %get3A_1] : memref<2000x32xf32, #tpu.memory_space<vmem>>, vector<2000x32xf32>
    %dot_general3A = arith.constant dense<0.000000e+00> : vector<2000x1xf32>
    %dot_general3A_3 = tpu.matmul %get3A_2, %broadcast_in_dim3A_0, %dot_general3A {dimension_numbers = #tpu.dot_dimension_numbers<[1], [0], [0], [1], [0, 0, 1, 1], [], []>, transpose_lhs_hint = false} : vector<2000x32xf32>, vector<32x1xf32>, vector<2000x1xf32> -> vector<2000x1xf32>
    %max3A = arith.constant 1.000000e+00 : f32
    %max3A_4 = vector.broadcast %max3A : f32 to vector<2000x1xf32>
    %max3A_5 = arith.maximumf %dot_general3A_3, %max3A_4 : vector<2000x1xf32>
    %div3A = arith.constant 1.000000e+00 : f32
    %div3A_6 = vector.broadcast %div3A : f32 to vector<2000x1xf32>
    %div3A_7 = arith.divf %div3A_6, %max3A_5 : vector<2000x1xf32>
    %get3A_8 = arith.constant 0 : index
    %get3A_9 = arith.constant 0 : index
    %get3A_10 = vector.load %arg2[%get3A_8, %get3A_9] : memref<2000x16xf32, #tpu.memory_space<vmem>>, vector<2000x16xf32>
    %get3A_11 = arith.constant 0 : index
    %get3A_12 = arith.constant 0 : index
    %get3A_13 = vector.load %arg3[%get3A_11, %get3A_12] : memref<2000x16xf32, #tpu.memory_space<vmem>>, vector<2000x16xf32>
    %add3A = arith.addf %get3A_10, %get3A_13 : vector<2000x16xf32>
    %mul3A = vector.broadcast %div3A_7 : vector<2000x1xf32> to vector<2000x16xf32>
    %mul3A_14 = arith.mulf %add3A, %mul3A : vector<2000x16xf32>
    %get3A_15 = arith.constant 0 : index
    %get3A_16 = arith.constant 0 : index
    %get3A_17 = vector.load %arg1[%get3A_15, %get3A_16] : memref<2000x128xf32, #tpu.memory_space<vmem>>, vector<2000x128xf32>
    %get3A_18 = arith.constant 0 : index
    %get3A_19 = arith.constant 0 : index
    %get3A_20 = vector.load %arg5[%get3A_18, %get3A_19] : memref<16x128xf32, #tpu.memory_space<vmem>>, vector<16x128xf32>
    %dot_general3A_21 = arith.constant dense<0.000000e+00> : vector<2000x128xf32>
    %dot_general3A_22 = tpu.matmul %mul3A_14, %get3A_20, %dot_general3A_21 {dimension_numbers = #tpu.dot_dimension_numbers<[1], [0], [0], [1], [0, 0, 1, 1], [], []>, transpose_lhs_hint = false} : vector<2000x16xf32>, vector<16x128xf32>, vector<2000x128xf32> -> vector<2000x128xf32>
    %add3A_23 = arith.addf %get3A_17, %dot_general3A_22 : vector<2000x128xf32>
    %swap3A = arith.constant 0 : index
    %swap3A_24 = arith.constant 0 : index
    %swap3A_25 = vector.load %arg6[%swap3A, %swap3A_24] : memref<2000x128xf32, #tpu.memory_space<vmem>>, vector<2000x128xf32>
    tpu.vector_store %arg6[%swap3A, %swap3A_24], %add3A_23 {strides = array<i32>} : memref<2000x128xf32, #tpu.memory_space<vmem>>, vector<2000x128xf32>,
    return
  }
  func.func @transform_0(%arg0: i32) -> (i32, i32) {
    %c0_i32 = arith.constant 0 : i32
    %c0_i32_0 = arith.constant 0 : i32
    return %arg0, %c0_i32 : i32, i32
  }
  func.func @transform_1(%arg0: i32) -> (i32, i32) {
    %c0_i32 = arith.constant 0 : i32
    %c0_i32_0 = arith.constant 0 : i32
    return %arg0, %c0_i32 : i32, i32
  }
  func.func @transform_2(%arg0: i32) -> (i32, i32) {
    %c0_i32 = arith.constant 0 : i32
    %c0_i32_0 = arith.constant 0 : i32
    return %arg0, %c0_i32 : i32, i32
  }
  func.func @transform_3(%arg0: i32) -> (i32, i32) {
    %c0_i32 = arith.constant 0 : i32
    %c0_i32_0 = arith.constant 0 : i32
    return %arg0, %c0_i32 : i32, i32
  }
  func.func @transform_4(%arg0: i32) -> (i32, i32) {
    %c0_i32 = arith.constant 0 : i32
    %c0_i32_0 = arith.constant 0 : i32
    %c0_i32_1 = arith.constant 0 : i32
    return %c0_i32, %c0_i32_0 : i32, i32
  }
  func.func @transform_5(%arg0: i32) -> (i32, i32) {
    %c0_i32 = arith.constant 0 : i32
    %c0_i32_0 = arith.constant 0 : i32
    return %arg0, %c0_i32 : i32, i32
  }
}

</mosaic_0001>

<sc_bundles>
// kernel: kernel.5.cloned.1.call-start
scs
__scs_entry_jumppad:
0x0: {  	(pc) =	sbr.rel $0x88, $3  }
0x1: {  	(tag) =	ssettag $0x0;
	lr =	simm.s32 $0x1  }
0x2: {  	[smem:$0x3F9C] =	sst lr;
	_ =	strace $0xD0000000  }
0x3: {  	_ = 	snop  }
0x4: {  	_ = 	snop  }
0x5: {  	_ = 	snop  }
0x6: {  	_ = 	snop  }
0x7: {  	_ = 	snop  }
__scs_overlays_trampoline_lowered:
0x8: {  	[smem:$0x3FAB] =	sst s0  }
0x9: {  	[smem:$0x3FAC] =	sst s1  }
0xa: {  	[smem:$0x3FAD] =	sst s2  }
0xb: {  	[smem:$0x3FAE] =	sst s3  }
0xc: {  	[smem:$0x3FAF] =	sst s4  }
0xd: {  	[smem:$0x3FB0] =	sst s5  }
0xe: {  	[smem:$0x3FB1] =	sst s6  }
0xf: {  	[smem:$0x3FB2] =	sst s7  }
0x10: {  	[smem:$0x3FB3] =	sst s8  }
0x11: {  	[smem:$0x3FB4] =	sst s9;
	s0 =	simm.s32 @!p0 $0x0  }
0x12: {  	s1 =	sld [smem:$0x3F9A];
	s0 =	simm.s32 @p0 $0x1  }
0x13: {  	[smem:$0x3FB5] =	sst s0;
	s0 =	simm.s32 @!p1 $0x0  }
0x14: {  	s2 =	sld [smem:$0x3F99];
	s0 =	simm.s32 @p1 $0x1  }
0x15: {  	[smem:$0x3FB6] =	sst s0;
	s0 =	simm.s32 @!p2 $0x0  }
0x16: {  	s3 =	sld [smem:$0x3FDB];
	s0 =	simm.s32 @p2 $0x1  }
0x17: {  	s4 =	simm.s32 $0x1BF5;
	[smem:$0x3FB8] =	sst s0  }
0x18: {  	s0 =	sld [smem:$0x3F9B];
	_ =	swait.ge [sflag:s4], $0x0  }
0x19: {  	s7 =	sld [smem:$0x3F9C]  }
0x1a: {  	s8 =	sadd.s32 $0xFFFFE003, lr  }
0x1b: {  	s9 =	sadd.s32 $0xFFFFFEF7, lr;
	s5 =	simm.s32 $0xFFFFFFFF;
	p2 =	slt.u32 s8, $0xFFFFF086  }
0x1c: {  	p1 =	slt.u32 s9, $0xF7A;
	s5 =	simm.s32 @!p2 $0x0  }
0x1d: {  	s5 =	simm.s32 @p1 $0x1;
	p0 =	seq.s32 s7, s2  }
0x1e: {  	s7 =	smul.u32 @!p0 $0xF7A, s2;
	p2 =	seq.s32 @!p0 s5, $0x0  }
0x1f: {  	s9 =	smul.u32 $0xF7A, s1;
	s8 =	simm.s32 @!p0 $0x1BF5;
	p2 =	por !p2, p0  }
0x20: {  	[sflag:s8] =	ssyncset.s32 @!p0 $0xFFFFF086;
	s6 =	sadd.s32 @!p0 s3, s7;
	s7 =	simm.s32 @!p0 $0x108  }
0x21: {  	s3 =	sadd.s32 s3, s9;
	s6 =	sadd.s32 @!p0 $0x88, s6;
	s7 =	simm.s32 @p2 $0x1082  }
0x22: {  	[simem:s7], [sflag:s8] =	dma.local @!p0 [hbm:s6], $0xF7A  }
0x23: {  	s9 =	sor.u32 $0xD0000000, s2;
	s6 =	simm.s32 $0x108;
	_ =	swait.ge @!p0 [sflag:s8], $0x0  }
0x24: {  	s3 =	sadd.s32 $0x88, s3;
	s6 =	simm.s32 @!p1 $0x1082;
	[sflag:s4] =	ssyncset.s32 $0xFFFFF086  }
0x25: {  	[simem:s6], [sflag:s4] =	dma.local [hbm:s3], $0xF7A  }
0x26: {  	[smem:$0x3F9C] =	sst s1;
	(tag) =	ssettag s2;
	_ =	strace s9  }
0x27: {  	s1 =	sld [smem:$0x3FAC]  }
0x28: {  	s2 =	sld [smem:$0x3FAD]  }
0x29: {  	s4 =	sld [smem:$0x3FAF]  }
0x2a: {  	p0 =	seq.s32 s5, $0x0;
	s5 =	sld [smem:$0x3FB0]  }
0x2b: {  	s6 =	sld [smem:$0x3FB1]  }
0x2c: {  	s7 =	sld [smem:$0x3FB2]  }
0x2d: {  	s3 =	simm.s32 $0x108;
	s8 =	sld [smem:$0x3FB3]  }
0x2e: {  	s3 =	simm.s32 @!p0 $0x1082;
	s9 =	sld [smem:$0x3FB4]  }
0x2f: {  	lr =	sadd.s32 s0, s3;
	s0 =	sld [smem:$0x3FAB]  }
0x30: {  	s3 =	sld [smem:$0x3FAE]  }
0x31: {  	[smem:$0x3FB7] =	sst s10  }
0x32: {  	s10 =	sld [smem:$0x3FB5];
	_ =	sdelay $0x3  }
0x33: {  	p0 =	seq.s32 s10, $0x1;
	s10 =	sld [smem:$0x3FB7];
	_ =	sdelay $0x3  }
0x34: {  	[smem:$0x3FB7] =	sst s10  }
0x35: {  	s10 =	sld [smem:$0x3FB6];
	_ =	sdelay $0x3  }
0x36: {  	p1 =	seq.s32 s10, $0x1;
	s10 =	sld [smem:$0x3FB7];
	_ =	sdelay $0x3  }
0x37: {  	[smem:$0x3FB7] =	sst s10  }
0x38: {  	s10 =	sld [smem:$0x3FB8]  }
0x39: {  	_ = 	snop;
	(pc) =	sbr.ind lr, $3  }
0x3a: {  	_ = 	snop  }
0x3b: {  	_ = 	snop  }
0x3c: {  	p2 =	seq.s32 s10, $0x1;
	s10 =	sld [smem:$0x3FB7]  }
0x3d: {  	_ =	shalt  }
0x3e: {  	_ =	shalt  }
0x3f: {  	_ =	shalt  }
0x40: {  	_ =	shalt  }
0x41: {  	_ =	shalt  }
0x42: {  	_ =	shalt  }
0x43: {  	_ =	shalt  }
0x44: {  	_ =	shalt  }
0x45: {  	_ =	shalt  }
0x46: {  	_ =	shalt  }
0x47: {  	_ =	shalt  }
0x48: {  	_ =	shalt  }
0x49: {  	_ =	shalt  }
0x4a: {  	_ =	shalt  }
0x4b: {  	_ =	shalt  }
0x4c: {  	_ =	shalt  }
0x4d: {  	_ =	shalt  }
0x4e: {  	_ =	shalt  }
0x4f: {  	_ =	shalt  }
0x50: {  	_ =	shalt  }
0x51: {  	_ =	shalt  }
0x52: {  	_ =	shalt  }
0x53: {  	_ =	shalt  }
0x54: {  	_ =	shalt  }
0x55: {  	_ =	shalt  }
0x56: {  	_ =	shalt  }
0x57: {  	_ =	shalt  }
0x58: {  	_ =	shalt  }
0x59: {  	_ =	shalt  }
0x5a: {  	_ =	shalt  }
0x5b: {  	_ =	shalt  }
0x5c: {  	_ =	shalt  }
0x5d: {  	_ =	shalt  }
0x5e: {  	_ =	shalt  }
0x5f: {  	_ =	shalt  }
0x60: {  	_ =	shalt  }
0x61: {  	_ =	shalt  }
0x62: {  	_ =	shalt  }
0x63: {  	_ =	shalt  }
0x64: {  	_ =	shalt  }
0x65: {  	_ =	shalt  }
0x66: {  	_ =	shalt  }
0x67: {  	_ =	shalt  }
0x68: {  	_ =	shalt  }
0x69: {  	_ =	shalt  }
0x6a: {  	_ =	shalt  }
0x6b: {  	_ =	shalt  }
0x6c: {  	_ =	shalt  }
0x6d: {  	_ =	shalt  }
0x6e: {  	_ =	shalt  }
0x6f: {  	_ =	shalt  }
0x70: {  	_ =	shalt  }
0x71: {  	_ =	shalt  }
0x72: {  	_ =	shalt  }
0x73: {  	_ =	shalt  }
0x74: {  	_ =	shalt  }
0x75: {  	_ =	shalt  }
0x76: {  	_ =	shalt  }
0x77: {  	_ =	shalt  }
0x78: {  	_ =	shalt  }
0x79: {  	_ =	shalt  }
0x7a: {  	_ =	shalt  }
0x7b: {  	_ =	shalt  }
0x7c: {  	_ =	shalt  }
0x7d: {  	_ =	shalt  }
0x7e: {  	_ =	shalt  }
0x7f: {  	_ =	shalt  }
0x80: {  	_ =	shalt  }
0x81: {  	_ =	shalt  }
0x82: {  	_ =	shalt  }
0x83: {  	_ =	shalt  }
0x84: {  	_ =	shalt  }
0x85: {  	_ =	shalt  }
0x86: {  	_ =	shalt  }
0x87: {  	_ =	shalt  }
.Lfunc_end0:
.L_simem_size_0:
called_computation.1_lowered:
.L_overlay_start_0:
0x88: {  	s2 =	sld [smem:$0x3FD9]  }
0x89: {  	s3 =	sld [smem:$0x3FFE];
	_ =	sdelay $0x1  }
0x8a: {  	s1 =	srdreg.scid  }
0x8b: {  	s0 =	sand.u32 $0x1, s1  }
0x8c: {  	s17 =	sshll.u32 s0, $0xA;
	s2 =	sadd.s32 s3, s2  }
0x8d: {  	s2 =	sadd.s32 s2, s17  }
0x8e: {  	[smem:$0x3FC3] =	sst s2  }
0x8f: {  	_ = 	snop  }
0x90: {  	s2 =	sld [smem:$0x3FD0];
	(tm) =	ssettm $0x1  }
0x91: {  	s18 =	sld [smem:$0x3FFB];
	_ =	sdelay $0x3  }
0x92: {  	_ =	strace s18  }
0x93: {  	s3 =	sld [smem:$0x3FFC];
	_ =	sdelay $0x3  }
0x94: {  	_ =	strace s3  }
0x95: {  	s3 =	sld [smem:$0x3FFD];
	_ =	sdelay $0x3  }
0x96: {  	_ =	strace s3  }
0x97: {  	_ =	strace $0x8FFFFFFF  }
0x98: {  	s19 =	sld [smem:$0x3FDB];
	_ =	sdelay $0x1  }
0x99: {  	s4 =	simm.s32 $_scs_section_size  }
0x9a: {  	s5 =	simm.s32 $_size__tile_overlayer_lowered;
	s6 =	simm.s32 $_tile_overlayer_lowered  }
0x9b: {  	s22 =	simm.s32 $0x1BFF;
	s21 =	sshll.u32 s6, $0x1;
	s3 =	sadd.s32 s4, s19  }
0x9c: {  	s7 =	simm.s32 $0x0;
	s20 =	sshll.u32 s5, $0x1;
	s5 =	sadd.s32 s21, s3  }
0x9d: {  	[timem:s7], [sflag:s22] =	dma.local [hbm:s5], s20  }
0x9e: {  	_ =	swait.ge [sflag:s22], s20  }
0x9f: {  	s4 =	ssub.s32 $0x0, s20;
	[sflag:s22] =	ssyncset.done $0x0  }
0xa0: {  	[sflag:s22] =	ssyncadd.s32 s4;
	_ =	sdelay $0x1  }
0xa1: {  	s23 =	simm.s32 $0x1B8B  }
0xa2: {  	_ =	swait.ge [sflag:s23], $0x1  }
0xa3: {  	[sflag:s23] =	ssyncset.done $0x0  }
0xa4: {  	s25 =	simm.s32 $0x1B8E;
	s24 =	sld [smem:$0x3FFE];
	[sflag:s23] =	ssyncadd.s32 $0xFFFFFFFF  }
0xa5: {  	s26 =	simm.s32 $execute0_lowered;
	[smem:$0x3FD2] =	sst s25  }
0xa6: {  	s5 =	sshll.u32 s26, $0x1;
	_ =	strace $0x80000049;
	[dreg:$0x1] =	wrdreg $0xFFFFFFFF  }
0xa7: {  	s28 =	simm.s32 $_size_execute0_lowered;
	s3 =	sadd.s32 s3, s5;
	[dreg:$0x0] =	wrdreg $0x0  }
0xa8: {  	s5 =	sshll.u32 s28, $0x1;
	[dreg:$0x2] =	wrdreg s3  }
0xa9: {  	[dreg:$0x3] =	wrdreg s5  }
0xaa: {  	[dreg:$0x4] =	wrdreg $0xC0  }
0xab: {  	_ =	task [dreg:s7], $0x5FFFF  }
0xac: {  	[dreg:$0x1] =	wrdreg $0xFFFFFFFF  }
0xad: {  	[dreg:$0x0] =	wrdreg $0x60  }
0xae: {  	[dreg:$0x2] =	wrdreg s24  }
0xaf: {  	[dreg:$0x3] =	wrdreg s2  }
0xb0: {  	[dreg:$0x4] =	wrdreg $0x9  }
0xb1: {  	_ =	task.clear_ibuf [dreg:s7], $0x5FFFF;
	_ =	strace $0x90000049  }
0xb2: {  	s29 =	simm.s32 $0x9;
	_ =	strace $0x8000004B  }
0xb3: {  	_ =	swait.ge [sflag:s29], $0x1  }
0xb4: {  	[sflag:s29] =	ssyncadd.s32 $0xFFFFFFFF  }
0xb5: {  	_ =	strace $0x9000004B  }
0xb6: {  	_ =	sfence  }
0xb7: {  	s30 =	sld [smem:$0x0];
	_ =	sdelay $0x2  }
0xb8: {  	s31 =	sshll.u32 s1, $0xD;
	s1 =	sshrl.u32 s1, $0x2  }
0xb9: {  	s3 =	sand.u32 $0x4000, s31;
	s1 =	sadd.s32 s1, s30  }
0xba: {  	s0 =	sor.u32 s3, s0;
	s1 =	sshll.u32 s1, $0x11  }
0xbb: {  	s0 =	sor.u32 s1, s0  }
0xbc: {  	s0 =	sadd.s32 $0x8F2B, s0  }
0xbd: {  	[sflag:s0] =	ssyncadd.remote.s32 $0x1  }
0xbe: {  	_ =	sfence.sel $0xFFFF  }
0xbf: {  	[dreg:$0x0] =	wrdreg $0xFFFFFFFF;
	(pc) =	sbr.abs _section_cstart, $3  }
0xc0: {  	[dreg:$0x1] =	wrdreg $0xFFFFFFFF  }
0xc1: {  	_ =	task.clear_ibuf [dreg:s7], $0x2FFFF;
	_ =	strace $0x9FFFFFFF  }
0xc2: {  	(tm) =	ssettm $0x7FFFFFFF  }
0xc3: {  	_ =	shalt  }
tec
execute0_lowered:
.L_overlay_start_1:
0x0: {  	(tag) =	ssettag $0x1  }
0x1: {  	s0 =	srdreg.scid;
	s1 =	rddreg [dreg:$0x0]  }
0x2: {  	s7 =	stileid.u32;
	s10 =	rddreg [dreg:$0x1];
	s16 =	simm.s32 $0x2000  }
0x3: {  	s17 =	simm.s32 $0x5;
	s18 =	simm.s32 $0x1000;
	s19 =	simm.s32 $0x800  }
0x4: {  	s20 =	simm.s32 $0x1800;
	s21 =	simm.s32 $0x1;
	s22 =	simm.s32 $0x3  }
0x5: {  	s23 =	simm.s32 $0x2;
	s24 =	simm.s32 $0x4;
	s0 =	sand.u32 $0x1, s0  }
0x6: {  	s25 =	simm.s32 $0x80;
	s26 =	simm.s32 $0x400;
	s2 =	sshll.u32 s0, $0x4  }
0x7: {  	s29 =	sshll.u32 s7, $0x7;
	s8 =	sor.u32 s7, s2;
	s7 =	smul.u32 $0x30D400, s7  }
0x8: {  	s2 =	simm.s32 $0x0;
	s3 =	sshrl.u32 s8, $0x3;
	s13 =	smul.u32 $0x186A0, s8  }
0x9: {  	s5 =	sand.u32 $0x380, s29;
	[smem:$0x7FF] =	sst s2;
	s4 =	smul.u32 $0xC3800, s3  }
0xa: {  	s28 =	simm.s32 $0x0;
	_ =	strace $0x8000004A;
	s3 =	sadd.s32 $0x61CC00, s1  }
0xb: {  	s12 =	sshrl.u32 s13, $0x3;
	s6 =	sor.u32 s5, s4;
	s4 =	smul.u32 $0x186A00, s0  }
0xc: {  	s5 =	sadd.s32 $0x2400, s1;
	s0 =	ssub.s32 $0x2, s0;
	s11 =	sshrl.u32 s6, $0x3  }
0xd: {  	s6 =	sadd.s32 $0x67E800, s1;
	s9 =	sshrl.u32 s0, $0x1;
	s1 =	sadd.s32 s11, s1  }
0xe: {  	s7 =	sadd.s32 s4, s7;
	s0 =	ssub.s32 s0, s9;
	s30 =	sshrl.u32 s4, $0x3  }
0xf: {  	s10 =	sadd.s32 s10, s11;
	s11 =	sadd.s32 s3, s12;
	s12 =	sadd.s32 $0x7D0, s13  }
0x10: {  	s13 =	sadd.s32 $0xFA0, s13;
	s31 =	sshrl.u32 s7, $0x3;
	s8 =	sadd.s32 s3, s30  }
0x11: {  	v0 =	vimm.f32 $1.000000000e+00;
	s14 =	sadd.s32 $0x681A00, s1;
	s15 =	smax.u32 s0, $0x1;
	s9 =	sadd.s32 s5, s31  }
.LBB2_1:
0x12: {  	[tilespmem:s16], [sflag:$0x5] =	stream.linear.gather [hbm4b:s6+s2], $0x18700, $0x38;
	[tilespmem:$0x1A700] =	vst v63  }
0x13: {  	_ =	swait.ge [sflag:s17], $0x18700  }
0x14: {  	[sflag:s17] =	ssyncset.done $0x0  }
0x15: {  	[sflag:s17] =	ssyncadd.s32 $0xFFFE7900  }
0x16: {  	[tilespmem:s2], [sflag:$0x1] =	stream.linear.gather [hbm4b:s8+s2], $0x7D0, $0x38;
	[tilespmem:$0x1A700] =	vst v63  }
0x17: {  	s29 =	simm.s32 $0x0  }
0x18: {  	[tilespmem:s18], [sflag:$0x3] =	stream.linear.gather [hbm4b:s9+s2], $0x7D0, $0x38;
	[tilespmem:$0x1A700] =	vst v63  }
.LBB2_2:
0x19: {  	s30 =	smul.u32 $0xFA0, s29;
	_ =	sdelay $0x1  }
0x1a: {  	s0 =	sadd.s32 $0x7D0, s30  }
0x1b: {  	s1 =	sadd.s32 s4, s0  }
0x1c: {  	s0 =	sadd.s32 s7, s0;
	s1 =	sshrl.u32 s1, $0x3  }
0x1d: {  	s0 =	sshrl.u32 s0, $0x3;
	s1 =	sadd.s32 s3, s1  }
0x1e: {  	[tilespmem:s19], [sflag:$0x2] =	stream.linear.gather [hbm4b:s1+s2], $0x7D0, $0x38;
	[tilespmem:$0x1A700] =	vst v63  }
0x1f: {  	s0 =	sadd.s32 s5, s0  }
0x20: {  	[tilespmem:s20], [sflag:$0x4] =	stream.linear.gather [hbm4b:s0+s2], $0x7D0, $0x38;
	[tilespmem:$0x1A700] =	vst v63  }
0x21: {  	_ =	swait.ge [sflag:s21], $0x7D0  }
0x22: {  	[sflag:s21] =	ssyncset.done $0x0  }
0x23: {  	[sflag:s21] =	ssyncadd.s32 $0xFFFFF830  }
0x24: {  	_ =	swait.ge [sflag:s22], $0x7D0  }
0x25: {  	[sflag:s22] =	ssyncset.done $0x0  }
0x26: {  	s1 =	simm.s32 $0x20;
	[sflag:s22] =	ssyncadd.s32 $0xFFFFF830  }
0x27: {  	v5 =	vld [tilespmem:s1+$0x10]  }
0x28: {  	v6 =	vld [tilespmem:s1+$0xFFFFFFF0]  }
0x29: {  	s31 =	simm.s32 $0x1020;
	v1 =	vld [tilespmem:s1+$0x0]  }
0x2a: {  	v7 =	vld [tilespmem:s31+$0x10]  }
0x2b: {  	v8 =	vld [tilespmem:s31+$0xFFFFFFF0]  }
0x2c: {  	v4 =	vld [tilespmem:s31+$0x0]  }
0x2d: {  	v2 =	vld [tilespmem:s1+$0xFFFFFFE0]  }
0x2e: {  	v3 =	vld [tilespmem:s31+$0xFFFFFFE0]  }
0x2f: {  	[tilespmem:v5+s16+$0x0] =	vst.idx.add.f32.msk $0xffff, v7  }
0x30: {  	s0 =	simm.s32 $0x60;
	s1 =	simm.s32 $0x0;
	[tilespmem:v6+s16+$0x0] =	vst.idx.add.f32.msk $0xffff, v8  }
.LBB2_3:
0x31: {  	v5 =	vld [tilespmem:s0+$0x10];
	s1 =	sadd.s32 $0x4, s1;
	v6 =	vmov v4  }
0x32: {  	v7 =	vld [tilespmem:s0+$0xFFFFFFF0];
	p0 =	slt.u32 s1, $0x78  }
0x33: {  	s31 =	sadd.s32 $0x40, s31;
	v8 =	vld [tilespmem:s0+$0x0]  }
0x34: {  	v9 =	vld [tilespmem:s31+$0x10]  }
0x35: {  	v10 =	vld [tilespmem:s0+$0xFFFFFFE0]  }
0x36: {  	v11 =	vld [tilespmem:s31+$0xFFFFFFE0]  }
0x37: {  	v12 =	vld [tilespmem:s31+$0xFFFFFFF0]  }
.Ltmp0:
0x38: {  	v4 =	vld [tilespmem:s31+$0x0];
	(pc) =	sbr.rel @p0 .LBB2_3-.Ltmp0, $4  }
0x39: {  	[tilespmem:v5+s16+$0x0] =	vst.idx.add.f32.msk $0xffff, v9  }
0x3a: {  	[tilespmem:v2+s16+$0x0] =	vst.idx.add.f32.msk $0xffff, v3;
	v2 =	vmov v10  }
0x3b: {  	[tilespmem:v1+s16+$0x0] =	vst.idx.add.f32.msk $0xffff, v6;
	v1 =	vmov v8;
	v3 =	vmov v11  }
0x3c: {  	s0 =	sadd.s32 $0x40, s0;
	[tilespmem:v7+s16+$0x0] =	vst.idx.add.f32.msk $0xffff, v12  }
0x3d: {  	_ =	sdelay $0x3  }
0x3e: {  	[tilespmem:v2+s16+$0x0] =	vst.idx.add.f32.msk $0xffff, v3  }
0x3f: {  	[tilespmem:v1+s16+$0x0] =	vst.idx.add.f32.msk $0xffff, v4  }
0x40: {  	v1 =	vld [tilespmem:$0x7C0];
	_ =	sdelay $0x2  }
0x41: {  	v2 =	vld [tilespmem:$0x17C0]  }
0x42: {  	p0 =	seq.s32 s29, $0x18F  }
0x43: {  	s0 =	sadd.s32 @!p0 $0xFA0, s30  }
0x44: {  	s1 =	sadd.s32 @!p0 s4, s0  }
0x45: {  	s0 =	sadd.s32 @!p0 s7, s0;
	s1 =	sshrl.u32 @!p0 s1, $0x3  }
0x46: {  	s30 =	simm.s32 @!p0 $0x0;
	s0 =	sshrl.u32 @!p0 s0, $0x3;
	s1 =	sadd.s32 @!p0 s3, s1;
	[tilespmem:v1+s16+$0x0] =	vst.idx.add.f32.msk $0xffff, v2  }
0x47: {  	[tilespmem:s30], [sflag:$0x1] =	stream.linear.gather @!p0 [hbm4b:s1+s30], $0x7D0, $0x38;
	[tilespmem:$0x1A700] =	vst v63  }
0x48: {  	s0 =	sadd.s32 @!p0 s5, s0;
	s1 =	simm.s32 @!p0 $0x1000  }
0x49: {  	[tilespmem:s1], [sflag:$0x3] =	stream.linear.gather @!p0 [hbm4b:s0+s30], $0x7D0, $0x38;
	[tilespmem:$0x1A700] =	vst v63  }
0x4a: {  	_ =	swait.ge [sflag:s23], $0x7D0  }
0x4b: {  	[sflag:s23] =	ssyncset.done $0x0  }
0x4c: {  	[sflag:s23] =	ssyncadd.s32 $0xFFFFF830  }
0x4d: {  	_ =	swait.ge [sflag:s24], $0x7D0  }
0x4e: {  	[sflag:s24] =	ssyncset.done $0x0  }
0x4f: {  	s31 =	simm.s32 $0x820;
	[sflag:s24] =	ssyncadd.s32 $0xFFFFF830  }
0x50: {  	v5 =	vld [tilespmem:s31+$0x10]  }
0x51: {  	v6 =	vld [tilespmem:s31+$0xFFFFFFF0]  }
0x52: {  	s30 =	simm.s32 $0x1820;
	v1 =	vld [tilespmem:s31+$0x0]  }
0x53: {  	v7 =	vld [tilespmem:s30+$0x10]  }
0x54: {  	v8 =	vld [tilespmem:s30+$0xFFFFFFF0]  }
0x55: {  	v4 =	vld [tilespmem:s30+$0x0]  }
0x56: {  	v2 =	vld [tilespmem:s31+$0xFFFFFFE0]  }
0x57: {  	v3 =	vld [tilespmem:s30+$0xFFFFFFE0]  }
0x58: {  	[tilespmem:v5+s16+$0x0] =	vst.idx.add.f32.msk $0xffff, v7  }
0x59: {  	s1 =	simm.s32 $0x0;
	s0 =	simm.s32 $0x860;
	[tilespmem:v6+s16+$0x0] =	vst.idx.add.f32.msk $0xffff, v8  }
.LBB2_5:
0x5a: {  	v5 =	vld [tilespmem:s0+$0x10];
	s1 =	sadd.s32 $0x4, s1;
	v6 =	vmov v4  }
0x5b: {  	v7 =	vld [tilespmem:s0+$0xFFFFFFF0];
	p0 =	slt.u32 s1, $0x78  }
0x5c: {  	s30 =	sadd.s32 $0x40, s30;
	v8 =	vld [tilespmem:s0+$0x0]  }
0x5d: {  	v9 =	vld [tilespmem:s30+$0x10]  }
0x5e: {  	v10 =	vld [tilespmem:s0+$0xFFFFFFE0]  }
0x5f: {  	v11 =	vld [tilespmem:s30+$0xFFFFFFE0]  }
0x60: {  	v12 =	vld [tilespmem:s30+$0xFFFFFFF0]  }
.Ltmp1:
0x61: {  	v4 =	vld [tilespmem:s30+$0x0];
	(pc) =	sbr.rel @p0 .LBB2_5-.Ltmp1, $4  }
0x62: {  	[tilespmem:v5+s16+$0x0] =	vst.idx.add.f32.msk $0xffff, v9  }
0x63: {  	[tilespmem:v2+s16+$0x0] =	vst.idx.add.f32.msk $0xffff, v3;
	v2 =	vmov v10  }
0x64: {  	[tilespmem:v1+s16+$0x0] =	vst.idx.add.f32.msk $0xffff, v6;
	v1 =	vmov v8;
	v3 =	vmov v11  }
0x65: {  	s0 =	sadd.s32 $0x40, s0;
	[tilespmem:v7+s16+$0x0] =	vst.idx.add.f32.msk $0xffff, v12  }
0x66: {  	_ =	sdelay $0x3  }
0x67: {  	[tilespmem:v2+s16+$0x0] =	vst.idx.add.f32.msk $0xffff, v3  }
0x68: {  	[tilespmem:v1+s16+$0x0] =	vst.idx.add.f32.msk $0xffff, v4  }
0x69: {  	v1 =	vld [tilespmem:$0xFC0];
	_ =	sdelay $0x1  }
0x6a: {  	s29 =	sadd.s32 $0x1, s29  }
0x6b: {  	v2 =	vld [tilespmem:$0x1FC0];
	p0 =	sne.s32 s29, $0x190  }
.Ltmp2:
0x6c: {  	_ = 	snop;
	(pc) =	sbr.rel @p0 .LBB2_2-.Ltmp2, $2  }
0x6d: {  	_ =	sdelay $0x2  }
0x6e: {  	[tilespmem:v1+s16+$0x0] =	vst.idx.add.f32.msk $0xffff, v2  }
0x6f: {  	[hbm4b:s10+s25] =	stream.strided.scatter [tilespmem:s16], [sflag:$0x5], $0x18700, s26, s25, $0x38;
	[tilespmem:$0x1A700] =	vst v63  }
0x70: {  	_ =	swait.ge [sflag:s17], $0x18700  }
0x71: {  	[sflag:s17] =	ssyncset.done $0x0  }
0x72: {  	s29 =	simm.s32 $0x0;
	[sflag:s17] =	ssyncadd.s32 $0xFFFE7900  }
0x73: {  	[tilespmem:s16], [sflag:$0x5] =	stream.linear.gather [hbm4b:s6+s29], $0x18700, $0x38;
	[tilespmem:$0x1A700] =	vst v63  }
0x74: {  	_ =	swait.ge [sflag:s17], $0x18700  }
0x75: {  	[sflag:s17] =	ssyncset.done $0x0  }
0x76: {  	[sflag:s17] =	ssyncadd.s32 $0xFFFE7900  }
0x77: {  	[tilespmem:s29], [sflag:$0x1] =	stream.linear.gather [hbm4b:s11+s29], $0x7D0, $0x38;
	[tilespmem:$0x1A700] =	vst v63  }
.LBB2_8:
0x78: {  	s30 =	smul.u32 $0xFA0, s29;
	_ =	sdelay $0x1  }
0x79: {  	s0 =	sadd.s32 s30, s12  }
0x7a: {  	s0 =	sshrl.u32 s0, $0x3  }
0x7b: {  	s0 =	sadd.s32 s3, s0  }
0x7c: {  	[tilespmem:s19], [sflag:$0x2] =	stream.linear.gather [hbm4b:s0+s2], $0x7D0, $0x38;
	[tilespmem:$0x1A700] =	vst v63  }
0x7d: {  	_ =	swait.ge [sflag:s21], $0x7D0  }
0x7e: {  	[sflag:s21] =	ssyncset.done $0x0  }
0x7f: {  	s31 =	simm.s32 $0x20;
	[sflag:s21] =	ssyncadd.s32 $0xFFFFF830  }
0x80: {  	v4 =	vld [tilespmem:s31+$0x10];
	_ =	sdelay $0x4  }
0x81: {  	v3 =	vld [tilespmem:s31+$0xFFFFFFE0]  }
0x82: {  	v1 =	vld [tilespmem:s31+$0xFFFFFFF0]  }
0x83: {  	v2 =	vld [tilespmem:s31+$0x0]  }
0x84: {  	s1 =	simm.s32 $0x60;
	s0 =	simm.s32 $0x0;
	[tilespmem:v4+s16+$0x0] =	vst.idx.add.f32.msk $0xffff, v0  }
.LBB2_9:
0x85: {  	v4 =	vld [tilespmem:s1+$0x10];
	s0 =	sadd.s32 $0x4, s0  }
0x86: {  	v5 =	vld [tilespmem:s1+$0xFFFFFFF0];
	p0 =	slt.u32 s0, $0x78  }
0x87: {  	v6 =	vld [tilespmem:s1+$0x0]  }
0x88: {  	v7 =	vld [tilespmem:s1+$0xFFFFFFE0]  }
.Ltmp3:
0x89: {  	[tilespmem:v3+s16+$0x0] =	vst.idx.add.f32.msk $0xffff, v0;
	(pc) =	sbr.rel @p0 .LBB2_9-.Ltmp3, $4  }
0x8a: {  	[tilespmem:v1+s16+$0x0] =	vst.idx.add.f32.msk $0xffff, v0  }
0x8b: {  	[tilespmem:v2+s16+$0x0] =	vst.idx.add.f32.msk $0xffff, v0;
	v1 =	vmov v5  }
0x8c: {  	v2 =	vmov v6  }
0x8d: {  	s1 =	sadd.s32 $0x40, s1;
	[tilespmem:v4+s16+$0x0] =	vst.idx.add.f32.msk $0xffff, v0;
	v3 =	vmov v7  }
0x8e: {  	_ =	sdelay $0x3  }
0x8f: {  	[tilespmem:v3+s16+$0x0] =	vst.idx.add.f32.msk $0xffff, v0  }
0x90: {  	[tilespmem:v1+s16+$0x0] =	vst.idx.add.f32.msk $0xffff, v0  }
0x91: {  	[tilespmem:v2+s16+$0x0] =	vst.idx.add.f32.msk $0xffff, v0  }
0x92: {  	v1 =	vld [tilespmem:$0x7C0];
	_ =	sdelay $0x4  }
0x93: {  	p0 =	seq.s32 s29, $0x18  }
0x94: {  	s0 =	sadd.s32 @!p0 s30, s13  }
0x95: {  	s0 =	sshrl.u32 @!p0 s0, $0x3  }
0x96: {  	s1 =	simm.s32 @!p0 $0x0;
	s0 =	sadd.s32 @!p0 s3, s0;
	[tilespmem:v1+s16+$0x0] =	vst.idx.add.f32.msk $0xffff, v0  }
0x97: {  	[tilespmem:s1], [sflag:$0x1] =	stream.linear.gather @!p0 [hbm4b:s0+s1], $0x7D0, $0x38;
	[tilespmem:$0x1A700] =	vst v63  }
0x98: {  	_ =	swait.ge [sflag:s23], $0x7D0  }
0x99: {  	[sflag:s23] =	ssyncset.done $0x0  }
0x9a: {  	s31 =	simm.s32 $0x820;
	[sflag:s23] =	ssyncadd.s32 $0xFFFFF830  }
0x9b: {  	v4 =	vld [tilespmem:s31+$0x10];
	_ =	sdelay $0x4  }
0x9c: {  	v3 =	vld [tilespmem:s31+$0xFFFFFFE0]  }
0x9d: {  	v1 =	vld [tilespmem:s31+$0xFFFFFFF0]  }
0x9e: {  	v2 =	vld [tilespmem:s31+$0x0]  }
0x9f: {  	s0 =	simm.s32 $0x0;
	s1 =	simm.s32 $0x860;
	[tilespmem:v4+s16+$0x0] =	vst.idx.add.f32.msk $0xffff, v0  }
.LBB2_11:
0xa0: {  	v4 =	vld [tilespmem:s1+$0x10];
	s0 =	sadd.s32 $0x4, s0  }
0xa1: {  	v5 =	vld [tilespmem:s1+$0xFFFFFFF0];
	p0 =	slt.u32 s0, $0x78  }
0xa2: {  	v6 =	vld [tilespmem:s1+$0x0]  }
0xa3: {  	v7 =	vld [tilespmem:s1+$0xFFFFFFE0]  }
.Ltmp4:
0xa4: {  	[tilespmem:v3+s16+$0x0] =	vst.idx.add.f32.msk $0xffff, v0;
	(pc) =	sbr.rel @p0 .LBB2_11-.Ltmp4, $4  }
0xa5: {  	[tilespmem:v1+s16+$0x0] =	vst.idx.add.f32.msk $0xffff, v0  }
0xa6: {  	[tilespmem:v2+s16+$0x0] =	vst.idx.add.f32.msk $0xffff, v0;
	v1 =	vmov v5  }
0xa7: {  	v2 =	vmov v6  }
0xa8: {  	s1 =	sadd.s32 $0x40, s1;
	[tilespmem:v4+s16+$0x0] =	vst.idx.add.f32.msk $0xffff, v0;
	v3 =	vmov v7  }
0xa9: {  	_ =	sdelay $0x3  }
0xaa: {  	[tilespmem:v3+s16+$0x0] =	vst.idx.add.f32.msk $0xffff, v0  }
0xab: {  	[tilespmem:v1+s16+$0x0] =	vst.idx.add.f32.msk $0xffff, v0  }
0xac: {  	[tilespmem:v2+s16+$0x0] =	vst.idx.add.f32.msk $0xffff, v0  }
0xad: {  	v1 =	vld [tilespmem:$0xFC0];
	_ =	sdelay $0x1  }
0xae: {  	s29 =	sadd.s32 $0x1, s29  }
0xaf: {  	p0 =	sne.s32 s29, $0x19  }
.Ltmp5:
0xb0: {  	_ = 	snop;
	(pc) =	sbr.rel @p0 .LBB2_8-.Ltmp5, $2  }
0xb1: {  	_ =	sdelay $0x2  }
0xb2: {  	[tilespmem:v1+s16+$0x0] =	vst.idx.add.f32.msk $0xffff, v0  }
0xb3: {  	s28 =	sadd.s32 $0x1, s28  }
0xb4: {  	p0 =	sne.s32 s28, s15  }
.Ltmp6:
0xb5: {  	_ = 	snop;
	(pc) =	sbr.rel @p0 .LBB2_1-.Ltmp6, $4  }
0xb6: {  	[hbm4b:s14+s25] =	stream.strided.scatter [tilespmem:s16], [sflag:$0x5], $0x18700, s26, s25, $0x38;
	[tilespmem:$0x1A700] =	vst v63  }
0xb7: {  	_ =	swait.ge [sflag:s17], $0x18700  }
0xb8: {  	[sflag:s17] =	ssyncset.done $0x0  }
0xb9: {  	[sflag:s17] =	ssyncadd.s32 $0xFFFE7900  }
0xba: {  	_ =	sfence.sel $0x180000  }
0xbb: {  	[bflag:$0x0] =	sbarrier.arrive $0xFFFF  }
0xbc: {  	_ =	strace $0x9000004A  }
0xbd: {  	s0 =	stileid.u32;
	[bflag:$0x2] =	sbarrier.arrive $0xFFFF  }
0xbe: {  	p0 =	sne.s32 s0, $0x0;
	s0 =	rddreg [dreg:$0x2]  }
0xbf: {  	s0 =	sadd.s32 @!p0 $0x100000, s0  }
0xc0: {  	[sflag:s0] =	ssyncadd.tile.s32 @!p0 $0x1;
	_ =	shalt  }
.Lfunc_end2:
_tile_overlayer_lowered:
.L_overlay_start_2:
0xc1: {  	(tag) =	ssettag $0x2  }
0xc2: {  	s0 =	rddreg [dreg:$0x0];
	s2 =	stileid.u32  }
0xc3: {  	s1 =	rddreg [dreg:$0x1];
	p0 =	sne.s32 s2, $0x0  }
0xc4: {  	s3 =	rddreg [dreg:$0x2];
	[bflag:$0x3] =	sbarrier.arrive $0xFFFF;
	s2 =	simm.s32 @!p0 $0x1C05  }
0xc5: {  	[timem:s3], [sflag:s2] =	dma.local @!p0 [hbm:s0], s1  }
0xc6: {  	s0 =	simm.s32 @!p0 $0x5  }
0xc7: {  	_ =	swait.ge @!p0 [sflag:s0], s1  }
0xc8: {  	s1 =	ssub.s32 @!p0 $0x0, s1;
	[sflag:s0] =	ssyncset.done @!p0 $0x0  }
0xc9: {  	[sflag:s0] =	ssyncadd.s32 @!p0 s1  }
0xca: {  	[bflag:$0x3] =	sbarrier.arrive $0xFFFF  }
0xcb: {  	_ =	shalt  }

// kernel: sparse-core-data-format-call.cloned.1.call-start
scs
called_computation_lowered:
.L_overlay_start_0:
0x0: {  	s2 =	sld [smem:$0x3FD9]  }
0x1: {  	s3 =	sld [smem:$0x3FFE];
	_ =	sdelay $0x1  }
0x2: {  	s1 =	srdreg.scid  }
0x3: {  	s0 =	sand.u32 $0x1, s1  }
0x4: {  	s18 =	sshll.u32 s0, $0xA;
	s2 =	sadd.s32 s3, s2  }
0x5: {  	s2 =	sadd.s32 s2, s18  }
0x6: {  	[smem:$0x3FC3] =	sst s2  }
0x7: {  	_ = 	snop  }
0x8: {  	s2 =	sld [smem:$0x3FC7];
	(tm) =	ssettm $0x1  }
0x9: {  	s19 =	sld [smem:$0x3FFB];
	_ =	sdelay $0x3  }
0xa: {  	_ =	strace s19  }
0xb: {  	s3 =	sld [smem:$0x3FFC];
	_ =	sdelay $0x3  }
0xc: {  	_ =	strace s3  }
0xd: {  	s3 =	sld [smem:$0x3FFD];
	_ =	sdelay $0x3  }
0xe: {  	_ =	strace s3  }
0xf: {  	_ =	strace $0x8FFFFFFF  }
0x10: {  	s20 =	sld [smem:$0x3FDB];
	_ =	sdelay $0x1  }
0x11: {  	s4 =	simm.s32 $_scs_section_size  }
0x12: {  	s5 =	simm.s32 $_size__tile_overlayer_lowered;
	s6 =	simm.s32 $_tile_overlayer_lowered  }
0x13: {  	s23 =	simm.s32 $0x1BFF;
	s22 =	sshll.u32 s6, $0x1;
	s3 =	sadd.s32 s4, s20  }
0x14: {  	s7 =	simm.s32 $0x0;
	s21 =	sshll.u32 s5, $0x1;
	s5 =	sadd.s32 s22, s3  }
0x15: {  	[timem:s7], [sflag:s23] =	dma.local [hbm:s5], s21  }
0x16: {  	_ =	swait.ge [sflag:s23], s21  }
0x17: {  	s4 =	ssub.s32 $0x0, s21;
	[sflag:s23] =	ssyncset.done $0x0  }
0x18: {  	[sflag:s23] =	ssyncadd.s32 s4;
	_ =	sdelay $0x1  }
0x19: {  	s24 =	simm.s32 $0x1B8B  }
0x1a: {  	_ =	swait.ge [sflag:s24], $0x1  }
0x1b: {  	[sflag:s24] =	ssyncset.done $0x0  }
0x1c: {  	s26 =	simm.s32 $0x1B8E;
	s25 =	sld [smem:$0x3FFE];
	[sflag:s24] =	ssyncadd.s32 $0xFFFFFFFF  }
0x1d: {  	s27 =	simm.s32 $execute0_lowered;
	[smem:$0x3FD2] =	sst s26  }
0x1e: {  	s5 =	sshll.u32 s27, $0x1;
	_ =	strace $0x80000046;
	[dreg:$0x1] =	wrdreg $0xFFFFFFFF  }
0x1f: {  	s28 =	simm.s32 $_size_execute0_lowered;
	s3 =	sadd.s32 s3, s5;
	[dreg:$0x0] =	wrdreg $0x0  }
0x20: {  	s5 =	sshll.u32 s28, $0x1;
	[dreg:$0x2] =	wrdreg s3  }
0x21: {  	[dreg:$0x3] =	wrdreg s5  }
0x22: {  	[dreg:$0x4] =	wrdreg $0xC0  }
0x23: {  	_ =	task [dreg:s7], $0x5FFFF  }
0x24: {  	[dreg:$0x1] =	wrdreg $0xFFFFFFFF  }
0x25: {  	[dreg:$0x0] =	wrdreg $0x60  }
0x26: {  	[dreg:$0x2] =	wrdreg s2  }
0x27: {  	[dreg:$0x3] =	wrdreg s25  }
0x28: {  	[dreg:$0x4] =	wrdreg $0x9  }
0x29: {  	_ =	task.clear_ibuf [dreg:s7], $0x5FFFF;
	_ =	strace $0x90000046  }
0x2a: {  	s29 =	simm.s32 $0x9;
	_ =	strace $0x80000048  }
0x2b: {  	_ =	swait.ge [sflag:s29], $0x1  }
0x2c: {  	[sflag:s29] =	ssyncadd.s32 $0xFFFFFFFF  }
0x2d: {  	_ =	strace $0x90000048  }
0x2e: {  	_ =	sfence  }
0x2f: {  	s30 =	sld [smem:$0x0];
	_ =	sdelay $0x2  }
0x30: {  	s31 =	sshll.u32 s1, $0xD;
	s1 =	sshrl.u32 s1, $0x2  }
0x31: {  	s3 =	sand.u32 $0x4000, s31;
	s1 =	sadd.s32 s1, s30  }
0x32: {  	s0 =	sor.u32 s3, s0;
	s1 =	sshll.u32 s1, $0x11  }
0x33: {  	s0 =	sor.u32 s1, s0  }
0x34: {  	s0 =	sadd.s32 $0x8F2B, s0  }
0x35: {  	[sflag:s0] =	ssyncadd.remote.s32 $0x1  }
0x36: {  	_ =	sfence.sel $0xFFFF  }
0x37: {  	[dreg:$0x0] =	wrdreg $0xFFFFFFFF;
	(pc) =	sbr.abs _section_cstart, $3  }
0x38: {  	[dreg:$0x1] =	wrdreg $0xFFFFFFFF  }
0x39: {  	_ =	task.clear_ibuf [dreg:s7], $0x2FFFF;
	_ =	strace $0x9FFFFFFF  }
0x3a: {  	(tm) =	ssettm $0x7FFFFFFF  }
0x3b: {  	_ =	shalt  }
tec
execute0_lowered:
.L_overlay_start_1:
0x0: {  	(tag) =	ssettag $0x1  }
0x1: {  	s0 =	srdreg.scid;
	s2 =	rddreg [dreg:$0x0]  }
0x2: {  	s4 =	rddreg [dreg:$0x1];
	s7 =	simm.s32 $0x1;
	s1 =	sshll.u32 s0, $0x4  }
0x3: {  	s8 =	simm.s32 $0x2;
	s0 =	stileid.u32;
	s1 =	sand.u32 $0x10, s1  }
0x4: {  	s14 =	simm.s32 $0x0;
	s9 =	simm.s32 $0x30D400;
	s1 =	sor.u32 s0, s1  }
0x5: {  	s10 =	simm.s32 $0x0;
	s15 =	simm.s32 $0x0;
	s3 =	sshll.u32 s1, $0x3  }
0x6: {  	s12 =	simm.s32 $0x0;
	s13 =	simm.s32 $0x0;
	s6 =	ssub.s32 $0x61A8, s3  }
.Ltmp0:
0x7: {  	s4 =	sadd.s32 $0x2400, s4;
	s5 =	sand.u32 $0xF8, s6;
	(pc) =	sbr.rel .LBB1_1-.Ltmp0, $4  }
0x8: {  	s1 =	rddreg [dreg:$0x2];
	_ =	strace $0x80000047;
	p0 =	sne.s32 s5, $0x0  }
0x9: {  	s6 =	sshrl.u32 s6, $0x8;
	s5 =	simm.s32 $0x1;
	s7 =	simm.s32 @!p0 $0x0  }
0xa: {  	s11 =	smov.u32 s3;
	[sflag:s5] =	ssyncpa.u1 $0x0;
	s6 =	sadd.s32 s7, s6  }
0xb: {  	[sflag:s8] =	ssyncpa.u1 $0x0;
	s8 =	simm.s32 $0x400;
	s7 =	sadd.s32 $0x1, s6  }
.LBB1_9:
0xc: {  	s16 =	sadd.s32 $0x100, s11  }
0xd: {  	s14 =	sadd.s32 $0x2, s12;
	s18 =	smov.u32 s12;
	p1 =	sgt.s32 s16, $0x61A7  }
0xe: {  	s18 =	smov.u32 @p1 s14  }
0xf: {  	s16 =	smov.u32 @p1 s3;
	p1 =	sgt.s32 s18, $0x1  }
0x10: {  	s18 =	simm.s32 @p1 $0x0;
	p1 =	sne.s32 s13, s7  }
.Ltmp1:
0x11: {  	p0 =	slt.u32 s13, $0x2;
	(pc) =	sbr.rel @!p1 .LBB1_10-.Ltmp1, $4  }
0x12: {  	s17 =	simm.s32 @!p0 $0x2  }
0x13: {  	s15 =	smov.u32 s12;
	s10 =	sadd.s32 $0x4000, s10;
	_ =	swait.ge @!p0 [sflag:s17], $0x4000  }
0x14: {  	s14 =	smov.u32 s11;
	[sflag:s17] =	ssyncset.done @!p0 $0x0;
	s11 =	smov.u32 s16  }
0x15: {  	s13 =	sadd.s32 $0x1, s13;
	[sflag:s17] =	ssyncadd.s32 @!p0 $0xFFFFC000;
	s12 =	smov.u32 s18  }
.LBB1_1:
0x16: {  	p0 =	sge.u32 s13, s6  }
0x17: {  	s17 =	smul.u32 @!p0 $0x30D400, s12  }
0x18: {  	s31 =	sadd.s32 $0xFFFFFFFF, s13;
	s16 =	sxor.u32 @!p0 $0xFFFFFFFF, s13;
	s18 =	sshll.u32 @!p0 s11, $0x7  }
0x19: {  	s19 =	simm.s32 @!p0 $0x186A000;
	s16 =	sshll.u32 @!p0 s16, $0xE;
	s17 =	sadd.s32 @!p0 s2, s17  }
0x1a: {  	s16 =	sand.u32 @!p0 $0x4000, s16;
	s17 =	sadd.s32 @!p0 s18, s17;
	s18 =	simm.s32 @!p0 $0x2000  }
0x1b: {  	[tilespmem:s16], [sflag:$0x1] =	stream.strided.gather @!p0 [hbm4b:s17+s18], $0x4000, s19, s18, $0x38;
	[tilespmem:$0x10000] =	vst v63  }
0x1c: {  	p0 =	sge.u32 s31, s6  }
.Ltmp2:
0x1d: {  	_ = 	snop;
	(pc) =	sbr.rel @p0 .LBB1_9-.Ltmp2, $1  }
0x1e: {  	_ =	sdelay $0x3  }
0x1f: {  	s16 =	sshll.u32 s10, $0x2  }
0x20: {  	_ =	swait.ge [sflag:s5], $0x4000;
	s17 =	sshll.u32 s13, $0xE;
	s19 =	simm.s32 $0x0  }
0x21: {  	p1 =	por $0x1, $0x1;
	s16 =	sand.u32 $0x10000, s16;
	[sflag:s5] =	ssyncset.done $0x0  }
0x22: {  	s17 =	sand.u32 $0x4000, s17;
	s18 =	sshrl.u32 s16, $0x2;
	[sflag:s5] =	ssyncadd.s32 $0xFFFFC000  }
0x23: {  	s16 =	sor.u32 $0x8000, s17;
	s17 =	sadd.s32 $0x8040, s18;
	s18 =	sadd.s32 $0x40, s18  }
.LBB1_3:
0x24: {  	s19 =	sshll.u32 s19, $0x2  }
0x25: {  	p0 =	por p1, p1;
	s20 =	sshra.s32 s19, $0x2  }
0x26: {  	s21 =	simm.s32 $0x0;
	s19 =	sadd.s32 s20, s17;
	s20 =	sadd.s32 s20, s18  }
.LBB1_4:
0x27: {  	v0 =	vmov s20;
	_ =	sdelay $0x3  }
0x28: {  	s23 =	simm.s32 $0x0  }
0x29: {  	v6 =	vld.idx.msk [tilespmem:v0+s23+$0x30 ss:$0x1], $0xffff  }
0x2a: {  	v7 =	vld.idx.msk [tilespmem:v0+s23+$0xFFFFFFC0 ss:$0x1], $0xffff  }
0x2b: {  	v5 =	vld.idx.msk [tilespmem:v0+s23+$0xFFFFFFD0 ss:$0x1], $0xffff  }
0x2c: {  	v4 =	vld.idx.msk [tilespmem:v0+s23+$0xFFFFFFE0 ss:$0x1], $0xffff  }
0x2d: {  	v3 =	vld.idx.msk [tilespmem:v0+s23+$0xFFFFFFF0 ss:$0x1], $0xffff  }
0x2e: {  	v1 =	vld.idx.msk [tilespmem:v0+s23+$0x0 ss:$0x1], $0xffff  }
0x2f: {  	v2 =	vld.idx.msk [tilespmem:v0+s23+$0x10 ss:$0x1], $0xffff;
	[tilespmem:s19+$0x30] =	vst v6  }
0x30: {  	s22 =	simm.s32 $0x80;
	s24 =	simm.s32 $0x400;
	[tilespmem:s19+$0xFFFFFFC0] =	vst v7;
	v6 =	vld.idx.msk [tilespmem:v0+s23+$0x20 ss:$0x1], $0xffff;
	s23 =	smov.u32 s19  }
.LBB1_5:
0x31: {  	p1 =	sne.s32 s24, $0xE00;
	v7 =	vld.idx.msk [tilespmem:v0+s22+$0x30 ss:$0x1], $0xffff;
	[tilespmem:s23+$0xFFFFFFD0] =	vst v5  }
0x32: {  	v8 =	vld.idx.msk [tilespmem:v0+s22+$0xFFFFFFC0 ss:$0x1], $0xffff;
	[tilespmem:s23+$0xFFFFFFE0] =	vst v4  }
0x33: {  	v5 =	vld.idx.msk [tilespmem:v0+s22+$0xFFFFFFD0 ss:$0x1], $0xffff;
	[tilespmem:s23+$0xFFFFFFF0] =	vst v3  }
.Ltmp3:
0x34: {  	v4 =	vld.idx.msk [tilespmem:v0+s22+$0xFFFFFFE0 ss:$0x1], $0xffff;
	[tilespmem:s23+$0x0] =	vst v1;
	(pc) =	sbr.rel @p1 .LBB1_5-.Ltmp3, $4  }
0x35: {  	v3 =	vld.idx.msk [tilespmem:v0+s22+$0xFFFFFFF0 ss:$0x1], $0xffff;
	[tilespmem:s23+$0x10] =	vst v2  }
0x36: {  	v1 =	vld.idx.msk [tilespmem:v0+s22+$0x0 ss:$0x1], $0xffff;
	[tilespmem:s23+$0x20] =	vst v6;
	s23 =	sadd.s32 $0x400, s23  }
0x37: {  	v2 =	vld.idx.msk [tilespmem:v0+s22+$0x10 ss:$0x1], $0xffff;
	[tilespmem:s23+$0x30] =	vst v7  }
0x38: {  	[tilespmem:s23+$0xFFFFFFC0] =	vst v8;
	v6 =	vld.idx.msk [tilespmem:v0+s22+$0x20 ss:$0x1], $0xffff;
	s22 =	sshra.s32 s24, $0x2;
	s24 =	sadd.s32 $0x200, s24  }
0x39: {  	_ =	sdelay $0x2  }
0x3a: {  	[tilespmem:s23+$0xFFFFFFD0] =	vst v5  }
0x3b: {  	v56 =	vld.idx.msk [tilespmem:v0+s22+$0x30 ss:$0x1], $0xffff;
	[tilespmem:s23+$0xFFFFFFE0] =	vst v4  }
0x3c: {  	v57 =	vld.idx.msk [tilespmem:v0+s22+$0xFFFFFFC0 ss:$0x1], $0xffff;
	[tilespmem:s23+$0xFFFFFFF0] =	vst v3  }
0x3d: {  	v58 =	vld.idx.msk [tilespmem:v0+s22+$0xFFFFFFD0 ss:$0x1], $0xffff;
	[tilespmem:s23+$0x0] =	vst v1  }
0x3e: {  	v59 =	vld.idx.msk [tilespmem:v0+s22+$0xFFFFFFE0 ss:$0x1], $0xffff;
	[tilespmem:s23+$0x10] =	vst v2  }
0x3f: {  	v60 =	vld.idx.msk [tilespmem:v0+s22+$0xFFFFFFF0 ss:$0x1], $0xffff;
	s31 =	sadd.s32 $0x400, s23;
	[tilespmem:s23+$0x20] =	vst v6  }
0x40: {  	v61 =	vld.idx.msk [tilespmem:v0+s22+$0x0 ss:$0x1], $0xffff;
	[tilespmem:s31+$0x30] =	vst v56  }
0x41: {  	v62 =	vld.idx.msk [tilespmem:v0+s22+$0x10 ss:$0x1], $0xffff;
	s21 =	sadd.s32 $0x1, s21;
	[tilespmem:s31+$0xFFFFFFC0] =	vst v57  }
0x42: {  	v63 =	vld.idx.msk [tilespmem:v0+s22+$0x20 ss:$0x1], $0xffff;
	p1 =	sne.s32 s21, $0x8;
	[tilespmem:s31+$0xFFFFFFD0] =	vst v58  }
.Ltmp4:
0x43: {  	[tilespmem:s31+$0xFFFFFFE0] =	vst v59;
	(pc) =	sbr.rel @p1 .LBB1_4-.Ltmp4, $4  }
0x44: {  	[tilespmem:s31+$0xFFFFFFF0] =	vst v60  }
0x45: {  	[tilespmem:s31+$0x0] =	vst v61  }
0x46: {  	[tilespmem:s31+$0x10] =	vst v62  }
0x47: {  	s19 =	sadd.s32 $0x80, s19;
	s20 =	sadd.s32 $0x400, s20;
	[tilespmem:s31+$0x20] =	vst v63  }
.Ltmp5:
0x48: {  	(pc) =	sbr.rel @p0 .LBB1_3-.Ltmp5, $2  }
0x49: {  	_ =	sdelay $0x2  }
0x4a: {  	s19 =	simm.s32 $0x2000;
	p1 =	por $0x0, $0x0  }
0x4b: {  	s14 =	sand.u32 $0x1FFFFFF, s14  }
0x4c: {  	s17 =	smulhi.u32 $0x14F8B59, s14;
	_ =	sdelay $0x1  }
0x4d: {  	s15 =	smul.u32 $0x30D400, s15;
	s17 =	sshrl.u32 s17, $0x7  }
0x4e: {  	s17 =	smul.u32 $0x61A8, s17  }
.Ltmp6:
0x4f: {  	_ = 	snop;
	(pc) =	sbr.rel .LBB1_9-.Ltmp6, $4  }
0x50: {  	s14 =	ssub.s32 s14, s17  }
0x51: {  	s15 =	sadd.s32 s4, s15;
	s14 =	sshll.u32 s14, $0x4  }
0x52: {  	s14 =	sadd.s32 s14, s15  }
0x53: {  	[hbm4b:s14+s8] =	stream.strided.scatter [tilespmem:s16], [sflag:$0x2], $0x4000, s9, s8, $0x38;
	[tilespmem:$0x10000] =	vst v63  }
.LBB1_10:
0x54: {  	_ =	sfence.sel $0x180000  }
0x55: {  	s2 =	simm.s32 $0x1;
	[bflag:$0x0] =	sbarrier.arrive $0xFFFF  }
0x56: {  	s31 =	simm.s32 $0x2;
	[sflag:s2] =	ssyncpa.u1 $0x1  }
0x57: {  	[sflag:s31] =	ssyncpa.u1 $0x1  }
0x58: {  	p0 =	sne.s32 s0, $0x0;
	_ =	strace $0x90000047  }
0x59: {  	s0 =	sadd.s32 @!p0 $0x100000, s1;
	[bflag:$0x2] =	sbarrier.arrive $0xFFFF  }
0x5a: {  	[sflag:s0] =	ssyncadd.tile.s32 @!p0 $0x1;
	_ =	shalt  }
.Lfunc_end1:
_tile_overlayer_lowered:
.L_overlay_start_2:
0x5b: {  	(tag) =	ssettag $0x2  }
0x5c: {  	s0 =	rddreg [dreg:$0x0];
	s2 =	stileid.u32  }
0x5d: {  	s1 =	rddreg [dreg:$0x1];
	p0 =	sne.s32 s2, $0x0  }
0x5e: {  	s3 =	rddreg [dreg:$0x2];
	[bflag:$0x3] =	sbarrier.arrive $0xFFFF;
	s2 =	simm.s32 @!p0 $0x1C01  }
0x5f: {  	[timem:s3], [sflag:s2] =	dma.local @!p0 [hbm:s0], s1  }
0x60: {  	s0 =	simm.s32 @!p0 $0x1  }
0x61: {  	_ =	swait.ge @!p0 [sflag:s0], s1  }
0x62: {  	s1 =	ssub.s32 @!p0 $0x0, s1;
	[sflag:s0] =	ssyncset.done @!p0 $0x0  }
0x63: {  	[sflag:s0] =	ssyncadd.s32 @!p0 s1  }
0x64: {  	[bflag:$0x3] =	sbarrier.arrive $0xFFFF  }
0x65: {  	_ =	shalt  }

</sc_bundles>
